<compile_context>
chip_gen: v7x
topology: tpu7x:2x2x1
jax: 0.10.2.dev20260603
libtpu: 0.0.44.dev20260713+nightly
codegen_flags: <defaults>
</compile_context>

<pallas_src>
import functools

import jax
import jax.numpy as jnp
from jax import lax
from jax.experimental import pallas as pl
from jax.experimental.pallas import tpu as pltpu
from jax.experimental.pallas import tpu_sc as plsc

V = 1000
VP = 1024
N_ROWS = 1024 * 200
NC, NS, L = 2, 16, 16
NW = NC * NS
B_PER_W = N_ROWS // NW
CHUNK = 40
N_CHUNKS = B_PER_W // CHUNK
HBLK = 1024
N_HBLK = N_ROWS // HBLK


def _lz_body(table_ref, lz_ref):
    x = table_ref[...]
    m = jnp.max(x, axis=1, keepdims=True)
    s = jnp.sum(jnp.exp(x - m), axis=1, keepdims=True)
    lz_ref[...] = m + jnp.log(s)


_lz_call = pl.pallas_call(
    _lz_body,
    out_shape=jax.ShapeDtypeStruct((V, 1), jnp.float32),
)


def _hist_body(inp_ref, tgt_ref, h_ref):
    i = pl.program_id(0)

    @pl.when(i == 0)
    def _():
        h_ref[...] = jnp.zeros_like(h_ref)

    cols = lax.broadcasted_iota(jnp.int32, (HBLK, VP), 1)
    iv = inp_ref[0, 0, :]
    tv = tgt_ref[0, 0, :]
    a = (iv[:, None] == cols).astype(jnp.int8)
    b = (tv[:, None] == cols).astype(jnp.int8)
    h_ref[...] += lax.dot_general(
        a, b, (((0,), (0,)), ((), ())),
        preferred_element_type=jnp.int32)


_hist_call = pl.pallas_call(
    _hist_body,
    grid=(N_HBLK,),
    in_specs=[
        pl.BlockSpec((1, 1, HBLK), lambda i: (i, 0, 0)),
        pl.BlockSpec((1, 1, HBLK), lambda i: (i, 0, 0)),
    ],
    out_specs=pl.BlockSpec((VP, VP), lambda i: (0, 0)),
    out_shape=jax.ShapeDtypeStruct((VP, VP), jnp.int32),
)


def _loss_body(h_ref, table_ref, lz_ref, out_ref):
    h = h_ref[...].astype(jnp.float32)
    row_cnt = jnp.sum(h, axis=1)[:V]
    lz_sum = jnp.sum(row_cnt * lz_ref[:, 0])
    picked_sum = jnp.sum(h[:V, :V] * table_ref[...])
    out_ref[...] = ((lz_sum - picked_sum) * (1.0 / N_ROWS)).reshape(1, 1)


_loss_call = pl.pallas_call(
    _loss_body,
    out_shape=jax.ShapeDtypeStruct((1, 1), jnp.float32),
)


_mesh = plsc.VectorSubcoreMesh(core_axis_name="c", subcore_axis_name="s")


@functools.partial(
    pl.kernel,
    mesh=_mesh,
    out_type=[
        jax.ShapeDtypeStruct((N_ROWS, V), jnp.float32),
        jax.ShapeDtypeStruct((N_ROWS, 128), jnp.float32),
    ],
    scratch_types=[
        pltpu.VMEM((B_PER_W,), jnp.int32),
        pltpu.VMEM((CHUNK, VP), jnp.float32),
        pltpu.VMEM((CHUNK, VP), jnp.float32),
        pltpu.SemaphoreType.DMA,
        pltpu.SemaphoreType.DMA,
        pltpu.SemaphoreType.DMA,
        pltpu.SemaphoreType.DMA,
    ],
)
def _sc_gather(tablep_hbm, inp_hbm, out_hbm, tail_hbm,
               idx_all, rows0, rows1, gsem0, gsem1, osem0, osem1):
    rows = [rows0, rows1]
    gsems, osems = [gsem0, gsem1], [osem0, osem1]
    wid = lax.axis_index("s") * NC + lax.axis_index("c")
    base = wid * B_PER_W

    pltpu.sync_copy(inp_hbm.at[pl.ds(base, B_PER_W)], idx_all)

    def idxv(c):
        return idx_all.at[pl.ds(c * CHUNK, CHUNK)]

    for b in range(2):
        pltpu.async_copy(tablep_hbm.at[idxv(b)], rows[b], gsems[b])

    def loop_body(i, carry):
        for b in range(2):
            c = 2 * i + b
            start = base + c * CHUNK
            pltpu.make_async_copy(
                tablep_hbm.at[idxv(c)], rows[b], gsems[b]).wait()
            pltpu.async_copy(
                rows[b].at[:, pl.ds(0, 896)],
                out_hbm.at[pl.ds(start, CHUNK), pl.ds(0, 896)], osems[b])
            pltpu.async_copy(
                rows[b].at[:, pl.ds(896, 128)],
                tail_hbm.at[pl.ds(start, CHUNK)], osems[b])
            pltpu.make_async_copy(
                rows[b].at[:, pl.ds(0, 896)],
                out_hbm.at[pl.ds(start, CHUNK), pl.ds(0, 896)], osems[b]).wait()
            pltpu.make_async_copy(
                rows[b].at[:, pl.ds(896, 128)],
                tail_hbm.at[pl.ds(start, CHUNK)], osems[b]).wait()

            @pl.when(c + 2 < N_CHUNKS)
            def _():
                pltpu.async_copy(
                    tablep_hbm.at[idxv(c + 2)], rows[b], gsems[b])
        return carry

    lax.fori_loop(0, N_CHUNKS // 2, loop_body, 0)


def kernel(table, inputs, targets):
    inp = inputs.reshape(-1).astype(jnp.int32)
    tgt = targets.reshape(-1).astype(jnp.int32)
    tablep = jnp.pad(table, ((0, 0), (0, VP - V)))
    lz = _lz_call(table)
    h = _hist_call(inp.reshape(N_HBLK, 1, HBLK), tgt.reshape(N_HBLK, 1, HBLK))
    main, tail = _sc_gather(tablep, inp)
    loss = _loss_call(h, table, lz)[0, 0]
    logits2 = lax.dynamic_update_slice(main, tail[:, :V - 896], (0, 896))
    return (logits2, loss)

# --- scband reference (transcript-rebuilt; emitter-appended) ---
"""Pipeline reference for scband-bigram-language-model-3753801416718 (READ-ONLY COPY).

The authoritative reference and input builder live on the scoring server;
editing this copy changes nothing except your own understanding.
"""

import jax, jax.numpy as jnp
import numpy as np

B, T, V = 1024, 200, 1000

def setup_inputs(seed: int = 0) -> dict:
    key = jax.random.key(seed)
    k1, k2, k3 = jax.random.split(key, 3)
    inputs = jax.random.randint(k1, (B, T), 0, V, dtype=jnp.int64)
    targets = jax.random.randint(k2, (B, T), 0, V, dtype=jnp.int64)
    # embedding table: nn.Embedding(vocab_size, vocab_size), default init N(0,1)
    table = jax.random.normal(k3, (V, V), dtype=jnp.float32)
    return {"table": table, "inputs": inputs, "targets": targets}

def reference(table, inputs, targets):
    # logits = embedding_layer(inputs)
    logits = jnp.take(table, inputs, axis=0)  # [B, T, V]
    Bb, Tt, H = logits.shape
    logits2 = logits.reshape(Bb * Tt, H)
    t = targets.reshape(Bb * Tt)
    # F.cross_entropy with mean reduction
    logZ = jax.nn.logsumexp(logits2, axis=-1)
    picked = jnp.take_along_axis(logits2, t[:, None], axis=1)[:, 0]
    loss = jnp.mean(logZ - picked)
    return (logits2, loss)

if __name__ == "__main__":
    import jax
    _d = setup_inputs()
    print(jax.jit(kernel)(*tuple(_d.values())))

</pallas_src>

<mosaic_0001>
#map = affine_map<(d0, d1) -> (0, 0)>
#map1 = affine_map<(d0, d1) -> (0)>
module attributes {stable_mosaic.version = 14 : i64} {
  func.func @_sc_gather(%arg0: i32, %arg1: i32, %arg2: memref<1000x1024xf32, #tpu.memory_space<hbm>>, %arg3: memref<204800xi32, #tpu.memory_space<hbm>>, %arg4: memref<204800x1000xf32, #tpu.memory_space<hbm>>, %arg5: memref<204800x128xf32, #tpu.memory_space<hbm>>, %arg6: memref<6400xi32, #tpu.memory_space<vmem>>, %arg7: memref<40x1024xf32, #tpu.memory_space<vmem>>, %arg8: memref<40x1024xf32, #tpu.memory_space<vmem>>, %arg9: memref<!tpu.dma_semaphore, #tpu.memory_space<semaphore_mem>>, %arg10: memref<!tpu.dma_semaphore, #tpu.memory_space<semaphore_mem>>, %arg11: memref<!tpu.dma_semaphore, #tpu.memory_space<semaphore_mem>>, %arg12: memref<!tpu.dma_semaphore, #tpu.memory_space<semaphore_mem>>) attributes {dimension_semantics = [#tpu.dimension_semantics<core_parallel>, #tpu.dimension_semantics<subcore_parallel>], iteration_bounds = array<i64: 2, 16>, scalar_prefetch = 0 : i64, scratch_operands = 7 : i64, tpu.core_type = #tpu.core_type<sc_vector_subcore>, window_params = [{transform_indices = #map}, {transform_indices = #map1}, {transform_indices = #map}, {transform_indices = #map}]} {
    %mul3A = arith.constant 2 : i32
    %mul3A_0 = arith.muli %arg1, %mul3A : i32
    %add3A = arith.addi %mul3A_0, %arg0 : i32
    %mul3A_1 = arith.constant 6400 : i32
    %mul3A_2 = arith.muli %add3A, %mul3A_1 : i32
    "tpu.region"() ({
      %run_scoped3A = tpu.sem_alloc : memref<!tpu.dma_semaphore, #tpu.memory_space<semaphore_mem>>
      %dma_start3A_17 = tpu.memref_slice %arg3[%mul3A_2] : memref<204800xi32, #tpu.memory_space<hbm>> -> memref<6400xi32, #tpu.memory_space<hbm>>
      %dma_start3A_18 = tpu.memref_slice %arg3[%mul3A_2] : memref<204800xi32, #tpu.memory_space<hbm>> -> memref<6400xi32, #tpu.memory_space<hbm>>
      tpu.enqueue_dma source(%dma_start3A_18 : memref<6400xi32, #tpu.memory_space<hbm>>) target(%arg6 : memref<6400xi32, #tpu.memory_space<vmem>>) target_semaphore(%run_scoped3A : memref<!tpu.dma_semaphore, #tpu.memory_space<semaphore_mem>>)
      %dma_wait3A = tpu.memref_slice %arg3[%mul3A_2] : memref<204800xi32, #tpu.memory_space<hbm>> -> memref<6400xi32, #tpu.memory_space<hbm>>
      %dma_wait3A_19 = tpu.memref_slice %arg3[%mul3A_2] : memref<204800xi32, #tpu.memory_space<hbm>> -> memref<6400xi32, #tpu.memory_space<hbm>>
      tpu.wait_dma2 semaphore(%run_scoped3A : memref<!tpu.dma_semaphore, #tpu.memory_space<semaphore_mem>>) src(%dma_wait3A_19 : memref<6400xi32, #tpu.memory_space<hbm>>) dst(%arg6 : memref<6400xi32, #tpu.memory_space<vmem>>)
      tpu.yield
    }) : () -> ()
    %dma_start3A = arith.constant 0 : i32
    %dma_start3A_3 = tpu.memref_slice %arg6[%dma_start3A] : memref<6400xi32, #tpu.memory_space<vmem>> -> memref<40xi32, #tpu.memory_space<vmem>>
    %dma_start3A_4 = arith.constant 0 : i32
    %dma_start3A_5 = arith.constant 0 : i32
    %dma_start3A_6 = tpu.memref_slice %arg2[%dma_start3A_4, %dma_start3A_5] : memref<1000x1024xf32, #tpu.memory_space<hbm>> -> memref<1000x1024xf32, #tpu.memory_space<hbm>>
    tpu.enqueue_indirect_dma source(%dma_start3A_6 : memref<1000x1024xf32, #tpu.memory_space<hbm>>) target(%arg7 : memref<40x1024xf32, #tpu.memory_space<vmem>>) offsets(%dma_start3A_3 : memref<40xi32, #tpu.memory_space<vmem>>) semaphore(%arg9 : memref<!tpu.dma_semaphore, #tpu.memory_space<semaphore_mem>>)
    %dma_start3A_7 = arith.constant 40 : i32
    %dma_start3A_8 = tpu.memref_slice %arg6[%dma_start3A_7] : memref<6400xi32, #tpu.memory_space<vmem>> -> memref<40xi32, #tpu.memory_space<vmem>>
    %dma_start3A_9 = arith.constant 0 : i32
    %dma_start3A_10 = arith.constant 0 : i32
    %dma_start3A_11 = tpu.memref_slice %arg2[%dma_start3A_9, %dma_start3A_10] : memref<1000x1024xf32, #tpu.memory_space<hbm>> -> memref<1000x1024xf32, #tpu.memory_space<hbm>>
    tpu.enqueue_indirect_dma source(%dma_start3A_11 : memref<1000x1024xf32, #tpu.memory_space<hbm>>) target(%arg8 : memref<40x1024xf32, #tpu.memory_space<vmem>>) offsets(%dma_start3A_8 : memref<40xi32, #tpu.memory_space<vmem>>) semaphore(%arg10 : memref<!tpu.dma_semaphore, #tpu.memory_space<semaphore_mem>>)
    %scan3A = arith.constant 0 : i32
    %scan3A_12 = arith.constant 0 : i32
    %scan3A_13 = arith.constant 80 : i32
    %scan3A_14 = arith.addi %scan3A_12, %scan3A_13 : i32
    %scan3A_15 = arith.constant 1 : i32
    scf.for %scan3A_17 = %scan3A_12 to %scan3A_14 step %scan3A_15  : i32 {
      %mul3A_18 = arith.constant 2 : i32
      %mul3A_19 = arith.muli %mul3A_18, %scan3A_17 : i32
      %add3A_20 = arith.constant 0 : i32
      %add3A_21 = arith.addi %mul3A_19, %add3A_20 : i32
      %mul3A_22 = arith.constant 40 : i32
      %mul3A_23 = arith.muli %add3A_21, %mul3A_22 : i32
      %add3A_24 = arith.addi %mul3A_2, %mul3A_23 : i32
      %mul3A_25 = arith.constant 40 : i32
      %mul3A_26 = arith.muli %add3A_21, %mul3A_25 : i32
      %dma_wait3A = tpu.memref_slice %arg6[%mul3A_26] : memref<6400xi32, #tpu.memory_space<vmem>> -> memref<40xi32, #tpu.memory_space<vmem>>
      %dma_wait3A_27 = arith.constant 0 : i32
      %dma_wait3A_28 = arith.constant 0 : i32
      %dma_wait3A_29 = tpu.memref_slice %arg2[%dma_wait3A_27, %dma_wait3A_28] : memref<1000x1024xf32, #tpu.memory_space<hbm>> -> memref<1000x1024xf32, #tpu.memory_space<hbm>>
      tpu.wait_indirect_dma semaphore(%arg9 : memref<!tpu.dma_semaphore, #tpu.memory_space<semaphore_mem>>) src(%dma_wait3A_29 : memref<1000x1024xf32, #tpu.memory_space<hbm>>) dst(%arg7 : memref<40x1024xf32, #tpu.memory_space<vmem>>)
      %dma_start3A_30 = arith.constant 0 : i32
      %dma_start3A_31 = arith.constant 0 : i32
      %dma_start3A_32 = tpu.memref_slice %arg7[%dma_start3A_30, %dma_start3A_31] : memref<40x1024xf32, #tpu.memory_space<vmem>> -> memref<40x896xf32, #tpu.memory_space<vmem>>
      %dma_start3A_33 = arith.constant 0 : i32
      %dma_start3A_34 = tpu.memref_slice %arg4[%add3A_24, %dma_start3A_33] : memref<204800x1000xf32, #tpu.memory_space<hbm>> -> memref<40x896xf32, #tpu.memory_space<hbm>>
      %dma_start3A_35 = arith.constant 0 : i32
      %dma_start3A_36 = tpu.memref_slice %arg4[%add3A_24, %dma_start3A_35] : memref<204800x1000xf32, #tpu.memory_space<hbm>> -> memref<40x896xf32, #tpu.memory_space<hbm>>
      %dma_start3A_37 = arith.constant 0 : i32
      %dma_start3A_38 = arith.constant 0 : i32
      %dma_start3A_39 = tpu.memref_slice %arg7[%dma_start3A_37, %dma_start3A_38] : memref<40x1024xf32, #tpu.memory_space<vmem>> -> memref<40x896xf32, #tpu.memory_space<vmem>>
      tpu.enqueue_dma source(%dma_start3A_39 : memref<40x896xf32, #tpu.memory_space<vmem>>) target(%dma_start3A_36 : memref<40x896xf32, #tpu.memory_space<hbm>>) target_semaphore(%arg11 : memref<!tpu.dma_semaphore, #tpu.memory_space<semaphore_mem>>)
      %dma_start3A_40 = arith.constant 0 : i32
      %dma_start3A_41 = arith.constant 896 : i32
      %dma_start3A_42 = tpu.memref_slice %arg7[%dma_start3A_40, %dma_start3A_41] : memref<40x1024xf32, #tpu.memory_space<vmem>> -> memref<40x128xf32, #tpu.memory_space<vmem>>
      %dma_start3A_43 = arith.constant 0 : i32
      %dma_start3A_44 = tpu.memref_slice %arg5[%add3A_24, %dma_start3A_43] : memref<204800x128xf32, #tpu.memory_space<hbm>> -> memref<40x128xf32, #tpu.memory_space<hbm>>
      %dma_start3A_45 = arith.constant 0 : i32
      %dma_start3A_46 = tpu.memref_slice %arg5[%add3A_24, %dma_start3A_45] : memref<204800x128xf32, #tpu.memory_space<hbm>> -> memref<40x128xf32, #tpu.memory_space<hbm>>
      %dma_start3A_47 = arith.constant 0 : i32
      %dma_start3A_48 = arith.constant 896 : i32
      %dma_start3A_49 = tpu.memref_slice %arg7[%dma_start3A_47, %dma_start3A_48] : memref<40x1024xf32, #tpu.memory_space<vmem>> -> memref<40x128xf32, #tpu.memory_space<vmem>>
      tpu.enqueue_dma source(%dma_start3A_49 : memref<40x128xf32, #tpu.memory_space<vmem>>) target(%dma_start3A_46 : memref<40x128xf32, #tpu.memory_space<hbm>>) target_semaphore(%arg11 : memref<!tpu.dma_semaphore, #tpu.memory_space<semaphore_mem>>)
      %dma_wait3A_50 = arith.constant 0 : i32
      %dma_wait3A_51 = arith.constant 0 : i32
      %dma_wait3A_52 = tpu.memref_slice %arg7[%dma_wait3A_50, %dma_wait3A_51] : memref<40x1024xf32, #tpu.memory_space<vmem>> -> memref<40x896xf32, #tpu.memory_space<vmem>>
      %dma_wait3A_53 = arith.constant 0 : i32
      %dma_wait3A_54 = tpu.memref_slice %arg4[%add3A_24, %dma_wait3A_53] : memref<204800x1000xf32, #tpu.memory_space<hbm>> -> memref<40x896xf32, #tpu.memory_space<hbm>>
      %dma_wait3A_55 = arith.constant 0 : i32
      %dma_wait3A_56 = tpu.memref_slice %arg4[%add3A_24, %dma_wait3A_55] : memref<204800x1000xf32, #tpu.memory_space<hbm>> -> memref<40x896xf32, #tpu.memory_space<hbm>>
      %dma_wait3A_57 = arith.constant 0 : i32
      %dma_wait3A_58 = arith.constant 0 : i32
      %dma_wait3A_59 = tpu.memref_slice %arg7[%dma_wait3A_57, %dma_wait3A_58] : memref<40x1024xf32, #tpu.memory_space<vmem>> -> memref<40x896xf32, #tpu.memory_space<vmem>>
      tpu.wait_dma2 semaphore(%arg11 : memref<!tpu.dma_semaphore, #tpu.memory_space<semaphore_mem>>) src(%dma_wait3A_59 : memref<40x896xf32, #tpu.memory_space<vmem>>) dst(%dma_wait3A_56 : memref<40x896xf32, #tpu.memory_space<hbm>>)
      %dma_wait3A_60 = arith.constant 0 : i32
      %dma_wait3A_61 = arith.constant 896 : i32
      %dma_wait3A_62 = tpu.memref_slice %arg7[%dma_wait3A_60, %dma_wait3A_61] : memref<40x1024xf32, #tpu.memory_space<vmem>> -> memref<40x128xf32, #tpu.memory_space<vmem>>
      %dma_wait3A_63 = arith.constant 0 : i32
      %dma_wait3A_64 = tpu.memref_slice %arg5[%add3A_24, %dma_wait3A_63] : memref<204800x128xf32, #tpu.memory_space<hbm>> -> memref<40x128xf32, #tpu.memory_space<hbm>>
      %dma_wait3A_65 = arith.constant 0 : i32
      %dma_wait3A_66 = tpu.memref_slice %arg5[%add3A_24, %dma_wait3A_65] : memref<204800x128xf32, #tpu.memory_space<hbm>> -> memref<40x128xf32, #tpu.memory_space<hbm>>
      %dma_wait3A_67 = arith.constant 0 : i32
      %dma_wait3A_68 = arith.constant 896 : i32
      %dma_wait3A_69 = tpu.memref_slice %arg7[%dma_wait3A_67, %dma_wait3A_68] : memref<40x1024xf32, #tpu.memory_space<vmem>> -> memref<40x128xf32, #tpu.memory_space<vmem>>
      tpu.wait_dma2 semaphore(%arg11 : memref<!tpu.dma_semaphore, #tpu.memory_space<semaphore_mem>>) src(%dma_wait3A_69 : memref<40x128xf32, #tpu.memory_space<vmem>>) dst(%dma_wait3A_66 : memref<40x128xf32, #tpu.memory_space<hbm>>)
      %add3A_70 = arith.constant 2 : i32
      %add3A_71 = arith.addi %add3A_21, %add3A_70 : i32
      %lt3A = arith.constant 160 : i32
      %lt3A_72 = arith.cmpi slt, %add3A_71, %lt3A : i32
      %convert_element_type3A = arith.extui %lt3A_72 : i1 to i32
      %cond3A = arith.constant 0 : i32
      %cond3A_73 = arith.cmpi ne, %convert_element_type3A, %cond3A : i32
      scf.if %cond3A_73 {
        %add3A_134 = arith.constant 2 : i32
        %add3A_135 = arith.addi %add3A_21, %add3A_134 : i32
        %mul3A_136 = arith.constant 40 : i32
        %mul3A_137 = arith.muli %add3A_135, %mul3A_136 : i32
        %dma_start3A_138 = tpu.memref_slice %arg6[%mul3A_137] : memref<6400xi32, #tpu.memory_space<vmem>> -> memref<40xi32, #tpu.memory_space<vmem>>
        %dma_start3A_139 = arith.constant 0 : i32
        %dma_start3A_140 = arith.constant 0 : i32
        %dma_start3A_141 = tpu.memref_slice %arg2[%dma_start3A_139, %dma_start3A_140] : memref<1000x1024xf32, #tpu.memory_space<hbm>> -> memref<1000x1024xf32, #tpu.memory_space<hbm>>
        tpu.enqueue_indirect_dma source(%dma_start3A_141 : memref<1000x1024xf32, #tpu.memory_space<hbm>>) target(%arg7 : memref<40x1024xf32, #tpu.memory_space<vmem>>) offsets(%dma_start3A_138 : memref<40xi32, #tpu.memory_space<vmem>>) semaphore(%arg9 : memref<!tpu.dma_semaphore, #tpu.memory_space<semaphore_mem>>)
      } else {
      }
      %mul3A_74 = arith.constant 2 : i32
      %mul3A_75 = arith.muli %mul3A_74, %scan3A_17 : i32
      %add3A_76 = arith.constant 1 : i32
      %add3A_77 = arith.addi %mul3A_75, %add3A_76 : i32
      %mul3A_78 = arith.constant 40 : i32
      %mul3A_79 = arith.muli %add3A_77, %mul3A_78 : i32
      %add3A_80 = arith.addi %mul3A_2, %mul3A_79 : i32
      %mul3A_81 = arith.constant 40 : i32
      %mul3A_82 = arith.muli %add3A_77, %mul3A_81 : i32
      %dma_wait3A_83 = tpu.memref_slice %arg6[%mul3A_82] : memref<6400xi32, #tpu.memory_space<vmem>> -> memref<40xi32, #tpu.memory_space<vmem>>
      %dma_wait3A_84 = arith.constant 0 : i32
      %dma_wait3A_85 = arith.constant 0 : i32
      %dma_wait3A_86 = tpu.memref_slice %arg2[%dma_wait3A_84, %dma_wait3A_85] : memref<1000x1024xf32, #tpu.memory_space<hbm>> -> memref<1000x1024xf32, #tpu.memory_space<hbm>>
      tpu.wait_indirect_dma semaphore(%arg10 : memref<!tpu.dma_semaphore, #tpu.memory_space<semaphore_mem>>) src(%dma_wait3A_86 : memref<1000x1024xf32, #tpu.memory_space<hbm>>) dst(%arg8 : memref<40x1024xf32, #tpu.memory_space<vmem>>)
      %dma_start3A_87 = arith.constant 0 : i32
      %dma_start3A_88 = arith.constant 0 : i32
      %dma_start3A_89 = tpu.memref_slice %arg8[%dma_start3A_87, %dma_start3A_88] : memref<40x1024xf32, #tpu.memory_space<vmem>> -> memref<40x896xf32, #tpu.memory_space<vmem>>
      %dma_start3A_90 = arith.constant 0 : i32
      %dma_start3A_91 = tpu.memref_slice %arg4[%add3A_80, %dma_start3A_90] : memref<204800x1000xf32, #tpu.memory_space<hbm>> -> memref<40x896xf32, #tpu.memory_space<hbm>>
      %dma_start3A_92 = arith.constant 0 : i32
      %dma_start3A_93 = tpu.memref_slice %arg4[%add3A_80, %dma_start3A_92] : memref<204800x1000xf32, #tpu.memory_space<hbm>> -> memref<40x896xf32, #tpu.memory_space<hbm>>
      %dma_start3A_94 = arith.constant 0 : i32
      %dma_start3A_95 = arith.constant 0 : i32
      %dma_start3A_96 = tpu.memref_slice %arg8[%dma_start3A_94, %dma_start3A_95] : memref<40x1024xf32, #tpu.memory_space<vmem>> -> memref<40x896xf32, #tpu.memory_space<vmem>>
      tpu.enqueue_dma source(%dma_start3A_96 : memref<40x896xf32, #tpu.memory_space<vmem>>) target(%dma_start3A_93 : memref<40x896xf32, #tpu.memory_space<hbm>>) target_semaphore(%arg12 : memref<!tpu.dma_semaphore, #tpu.memory_space<semaphore_mem>>)
      %dma_start3A_97 = arith.constant 0 : i32
      %dma_start3A_98 = arith.constant 896 : i32
      %dma_start3A_99 = tpu.memref_slice %arg8[%dma_start3A_97, %dma_start3A_98] : memref<40x1024xf32, #tpu.memory_space<vmem>> -> memref<40x128xf32, #tpu.memory_space<vmem>>
      %dma_start3A_100 = arith.constant 0 : i32
      %dma_start3A_101 = tpu.memref_slice %arg5[%add3A_80, %dma_start3A_100] : memref<204800x128xf32, #tpu.memory_space<hbm>> -> memref<40x128xf32, #tpu.memory_space<hbm>>
      %dma_start3A_102 = arith.constant 0 : i32
      %dma_start3A_103 = tpu.memref_slice %arg5[%add3A_80, %dma_start3A_102] : memref<204800x128xf32, #tpu.memory_space<hbm>> -> memref<40x128xf32, #tpu.memory_space<hbm>>
      %dma_start3A_104 = arith.constant 0 : i32
      %dma_start3A_105 = arith.constant 896 : i32
      %dma_start3A_106 = tpu.memref_slice %arg8[%dma_start3A_104, %dma_start3A_105] : memref<40x1024xf32, #tpu.memory_space<vmem>> -> memref<40x128xf32, #tpu.memory_space<vmem>>
      tpu.enqueue_dma source(%dma_start3A_106 : memref<40x128xf32, #tpu.memory_space<vmem>>) target(%dma_start3A_103 : memref<40x128xf32, #tpu.memory_space<hbm>>) target_semaphore(%arg12 : memref<!tpu.dma_semaphore, #tpu.memory_space<semaphore_mem>>)
      %dma_wait3A_107 = arith.constant 0 : i32
      %dma_wait3A_108 = arith.constant 0 : i32
      %dma_wait3A_109 = tpu.memref_slice %arg8[%dma_wait3A_107, %dma_wait3A_108] : memref<40x1024xf32, #tpu.memory_space<vmem>> -> memref<40x896xf32, #tpu.memory_space<vmem>>
      %dma_wait3A_110 = arith.constant 0 : i32
      %dma_wait3A_111 = tpu.memref_slice %arg4[%add3A_80, %dma_wait3A_110] : memref<204800x1000xf32, #tpu.memory_space<hbm>> -> memref<40x896xf32, #tpu.memory_space<hbm>>
      %dma_wait3A_112 = arith.constant 0 : i32
      %dma_wait3A_113 = tpu.memref_slice %arg4[%add3A_80, %dma_wait3A_112] : memref<204800x1000xf32, #tpu.memory_space<hbm>> -> memref<40x896xf32, #tpu.memory_space<hbm>>
      %dma_wait3A_114 = arith.constant 0 : i32
      %dma_wait3A_115 = arith.constant 0 : i32
      %dma_wait3A_116 = tpu.memref_slice %arg8[%dma_wait3A_114, %dma_wait3A_115] : memref<40x1024xf32, #tpu.memory_space<vmem>> -> memref<40x896xf32, #tpu.memory_space<vmem>>
      tpu.wait_dma2 semaphore(%arg12 : memref<!tpu.dma_semaphore, #tpu.memory_space<semaphore_mem>>) src(%dma_wait3A_116 : memref<40x896xf32, #tpu.memory_space<vmem>>) dst(%dma_wait3A_113 : memref<40x896xf32, #tpu.memory_space<hbm>>)
      %dma_wait3A_117 = arith.constant 0 : i32
      %dma_wait3A_118 = arith.constant 896 : i32
      %dma_wait3A_119 = tpu.memref_slice %arg8[%dma_wait3A_117, %dma_wait3A_118] : memref<40x1024xf32, #tpu.memory_space<vmem>> -> memref<40x128xf32, #tpu.memory_space<vmem>>
      %dma_wait3A_120 = arith.constant 0 : i32
      %dma_wait3A_121 = tpu.memref_slice %arg5[%add3A_80, %dma_wait3A_120] : memref<204800x128xf32, #tpu.memory_space<hbm>> -> memref<40x128xf32, #tpu.memory_space<hbm>>
      %dma_wait3A_122 = arith.constant 0 : i32
      %dma_wait3A_123 = tpu.memref_slice %arg5[%add3A_80, %dma_wait3A_122] : memref<204800x128xf32, #tpu.memory_space<hbm>> -> memref<40x128xf32, #tpu.memory_space<hbm>>
      %dma_wait3A_124 = arith.constant 0 : i32
      %dma_wait3A_125 = arith.constant 896 : i32
      %dma_wait3A_126 = tpu.memref_slice %arg8[%dma_wait3A_124, %dma_wait3A_125] : memref<40x1024xf32, #tpu.memory_space<vmem>> -> memref<40x128xf32, #tpu.memory_space<vmem>>
      tpu.wait_dma2 semaphore(%arg12 : memref<!tpu.dma_semaphore, #tpu.memory_space<semaphore_mem>>) src(%dma_wait3A_126 : memref<40x128xf32, #tpu.memory_space<vmem>>) dst(%dma_wait3A_123 : memref<40x128xf32, #tpu.memory_space<hbm>>)
      %add3A_127 = arith.constant 2 : i32
      %add3A_128 = arith.addi %add3A_77, %add3A_127 : i32
      %lt3A_129 = arith.constant 160 : i32
      %lt3A_130 = arith.cmpi slt, %add3A_128, %lt3A_129 : i32
      %convert_element_type3A_131 = arith.extui %lt3A_130 : i1 to i32
      %cond3A_132 = arith.constant 0 : i32
      %cond3A_133 = arith.cmpi ne, %convert_element_type3A_131, %cond3A_132 : i32
      scf.if %cond3A_133 {
        %add3A_134 = arith.constant 2 : i32
        %add3A_135 = arith.addi %add3A_77, %add3A_134 : i32
        %mul3A_136 = arith.constant 40 : i32
        %mul3A_137 = arith.muli %add3A_135, %mul3A_136 : i32
        %dma_start3A_138 = tpu.memref_slice %arg6[%mul3A_137] : memref<6400xi32, #tpu.memory_space<vmem>> -> memref<40xi32, #tpu.memory_space<vmem>>
        %dma_start3A_139 = arith.constant 0 : i32
        %dma_start3A_140 = arith.constant 0 : i32
        %dma_start3A_141 = tpu.memref_slice %arg2[%dma_start3A_139, %dma_start3A_140] : memref<1000x1024xf32, #tpu.memory_space<hbm>> -> memref<1000x1024xf32, #tpu.memory_space<hbm>>
        tpu.enqueue_indirect_dma source(%dma_start3A_141 : memref<1000x1024xf32, #tpu.memory_space<hbm>>) target(%arg8 : memref<40x1024xf32, #tpu.memory_space<vmem>>) offsets(%dma_start3A_138 : memref<40xi32, #tpu.memory_space<vmem>>) semaphore(%arg10 : memref<!tpu.dma_semaphore, #tpu.memory_space<semaphore_mem>>)
      } else {
      }
    }
    %scan3A_16 = arith.constant 80 : i32
    return
  }
}

module attributes {stable_mosaic.version = 14 : i64} {
  func.func @_lz_body(%arg0: memref<1000x1000xf32, #tpu.memory_space<vmem>>, %arg1: memref<1000x1xf32, #tpu.memory_space<vmem>>) attributes {dimension_semantics = [], scalar_prefetch = 0 : i64, scratch_operands = 0 : i64, tpu.core_type = #tpu.core_type<tc>} {
    %get3A = arith.constant 0 : index
    %get3A_0 = arith.constant 0 : index
    %get3A_1 = vector.load %arg0[%get3A, %get3A_0] : memref<1000x1000xf32, #tpu.memory_space<vmem>>, vector<1000x1000xf32>
    %reduce_max3A = arith.constant dense<0xFF800000> : vector<1000xf32>
    %reduce_max3A_2 = vector.multi_reduction <maximumf>, %get3A_1, %reduce_max3A [1] : vector<1000x1000xf32> to vector<1000xf32>
    %broadcast_in_dim3A = vector.shape_cast %reduce_max3A_2 : vector<1000xf32> to vector<1000x1xf32>
    %sub3A = vector.broadcast %broadcast_in_dim3A : vector<1000x1xf32> to vector<1000x1000xf32>
    %sub3A_3 = arith.subf %get3A_1, %sub3A : vector<1000x1000xf32>
    %exp3A = math.exp %sub3A_3 : vector<1000x1000xf32>
    %reduce_sum3A = arith.constant dense<0.000000e+00> : vector<1000xf32>
    %reduce_sum3A_4 = vector.multi_reduction <add>, %exp3A, %reduce_sum3A [1] : vector<1000x1000xf32> to vector<1000xf32>
    %broadcast_in_dim3A_5 = vector.shape_cast %reduce_sum3A_4 : vector<1000xf32> to vector<1000x1xf32>
    %log3A = math.log %broadcast_in_dim3A_5 : vector<1000x1xf32>
    %add3A = arith.addf %broadcast_in_dim3A, %log3A : vector<1000x1xf32>
    %swap3A = arith.constant 0 : index
    %swap3A_6 = arith.constant 0 : index
    %swap3A_7 = vector.load %arg1[%swap3A, %swap3A_6] : memref<1000x1xf32, #tpu.memory_space<vmem>>, vector<1000x1xf32>
    tpu.vector_store %arg1[%swap3A, %swap3A_6], %add3A {strides = array<i32>} : memref<1000x1xf32, #tpu.memory_space<vmem>>, vector<1000x1xf32>,
    return
  }
}

module attributes {stable_mosaic.version = 14 : i64} {
  func.func @_hist_body(%arg0: i32, %arg1: memref<1x1x1024xi32, #tpu.memory_space<vmem>>, %arg2: memref<1x1x1024xi32, #tpu.memory_space<vmem>>, %arg3: memref<1024x1024xi32, #tpu.memory_space<vmem>>) attributes {dimension_semantics = [#tpu.dimension_semantics<arbitrary>], iteration_bounds = array<i64: 200>, scalar_prefetch = 0 : i64, scratch_operands = 0 : i64, tpu.core_type = #tpu.core_type<tc>, window_params = [{transform_indices = @transform_0, window_bounds = array<i64: 1, 1, 1024>}, {transform_indices = @transform_1, window_bounds = array<i64: 1, 1, 1024>}, {pipeline_mode = #tpu.pipeline_mode<synchronous>, transform_indices = @transform_2, window_bounds = array<i64: 1024, 1024>}]} {
    %eq3A = arith.constant 0 : i32
    %eq3A_0 = arith.cmpi eq, %arg0, %eq3A : i32
    %convert_element_type3A = arith.extui %eq3A_0 : i1 to i32
    %cond3A = arith.constant 0 : i32
    %cond3A_1 = arith.cmpi ne, %convert_element_type3A, %cond3A : i32
    scf.if %cond3A_1 {
      %broadcast_in_dim3A_24 = arith.constant 0 : i32
      %broadcast_in_dim3A_25 = vector.broadcast %broadcast_in_dim3A_24 : i32 to vector<1024x1024xi32>
      %swap3A_26 = arith.constant 0 : index
      %swap3A_27 = arith.constant 0 : index
      %swap3A_28 = vector.load %arg3[%swap3A_26, %swap3A_27] : memref<1024x1024xi32, #tpu.memory_space<vmem>>, vector<1024x1024xi32>
      tpu.vector_store %arg3[%swap3A_26, %swap3A_27], %broadcast_in_dim3A_25 {strides = array<i32>} : memref<1024x1024xi32, #tpu.memory_space<vmem>>, vector<1024x1024xi32>,
    } else {
    }
    %iota3A = tpu.iota {dimensions = array<i32: 1>} : vector<1024x1024xi32>
    %get3A = arith.constant 0 : index
    %get3A_2 = arith.constant 0 : index
    %get3A_3 = arith.constant 0 : index
    %get3A_4 = vector.load %arg1[%get3A, %get3A_2, %get3A_3] : memref<1x1x1024xi32, #tpu.memory_space<vmem>>, vector<1x1x1024xi32>
    %get3A_5 = vector.shape_cast %get3A_4 : vector<1x1x1024xi32> to vector<1024xi32>
    %get3A_6 = arith.constant 0 : index
    %get3A_7 = arith.constant 0 : index
    %get3A_8 = arith.constant 0 : index
    %get3A_9 = vector.load %arg2[%get3A_6, %get3A_7, %get3A_8] : memref<1x1x1024xi32, #tpu.memory_space<vmem>>, vector<1x1x1024xi32>
    %get3A_10 = vector.shape_cast %get3A_9 : vector<1x1x1024xi32> to vector<1024xi32>
    %broadcast_in_dim3A = vector.shape_cast %get3A_5 : vector<1024xi32> to vector<1024x1xi32>
    %eq3A_11 = vector.broadcast %broadcast_in_dim3A : vector<1024x1xi32> to vector<1024x1024xi32>
    %eq3A_12 = arith.cmpi eq, %eq3A_11, %iota3A : vector<1024x1024xi32>
    %convert_element_type3A_13 = arith.extui %eq3A_12 : vector<1024x1024xi1> to vector<1024x1024xi8>
    %broadcast_in_dim3A_14 = vector.shape_cast %get3A_10 : vector<1024xi32> to vector<1024x1xi32>
    %eq3A_15 = vector.broadcast %broadcast_in_dim3A_14 : vector<1024x1xi32> to vector<1024x1024xi32>
    %eq3A_16 = arith.cmpi eq, %eq3A_15, %iota3A : vector<1024x1024xi32>
    %convert_element_type3A_17 = arith.extui %eq3A_16 : vector<1024x1024xi1> to vector<1024x1024xi8>
    %get3A_18 = arith.constant 0 : index
    %get3A_19 = arith.constant 0 : index
    %get3A_20 = vector.load %arg3[%get3A_18, %get3A_19] : memref<1024x1024xi32, #tpu.memory_space<vmem>>, vector<1024x1024xi32>
    %dot_general3A = arith.constant dense<0> : vector<1024x1024xi32>
    %dot_general3A_21 = tpu.matmul %convert_element_type3A_13, %convert_element_type3A_17, %dot_general3A {dimension_numbers = #tpu.dot_dimension_numbers<[0], [0], [1], [1], [0, 1, 1, 1], [], []>, transpose_lhs_hint = false} : vector<1024x1024xi8>, vector<1024x1024xi8>, vector<1024x1024xi32> -> vector<1024x1024xi32>
    %add3A = arith.addi %get3A_20, %dot_general3A_21 : vector<1024x1024xi32>
    %swap3A = arith.constant 0 : index
    %swap3A_22 = arith.constant 0 : index
    %swap3A_23 = vector.load %arg3[%swap3A, %swap3A_22] : memref<1024x1024xi32, #tpu.memory_space<vmem>>, vector<1024x1024xi32>
    tpu.vector_store %arg3[%swap3A, %swap3A_22], %add3A {strides = array<i32>} : memref<1024x1024xi32, #tpu.memory_space<vmem>>, vector<1024x1024xi32>,
    return
  }
  func.func @transform_0(%arg0: i32) -> (i32, i32, i32) {
    %c0_i32 = arith.constant 0 : i32
    %c0_i32_0 = arith.constant 0 : i32
    %c0_i32_1 = arith.constant 0 : i32
    return %arg0, %c0_i32, %c0_i32_0 : i32, i32, i32
  }
  func.func @transform_1(%arg0: i32) -> (i32, i32, i32) {
    %c0_i32 = arith.constant 0 : i32
    %c0_i32_0 = arith.constant 0 : i32
    %c0_i32_1 = arith.constant 0 : i32
    return %arg0, %c0_i32, %c0_i32_0 : i32, i32, i32
  }
  func.func @transform_2(%arg0: i32) -> (i32, i32) {
    %c0_i32 = arith.constant 0 : i32
    %c0_i32_0 = arith.constant 0 : i32
    %c0_i32_1 = arith.constant 0 : i32
    return %c0_i32, %c0_i32_0 : i32, i32
  }
}

module attributes {stable_mosaic.version = 14 : i64} {
  func.func @_loss_body(%arg0: memref<1024x1024xi32, #tpu.memory_space<vmem>>, %arg1: memref<1000x1000xf32, #tpu.memory_space<vmem>>, %arg2: memref<1000x1xf32, #tpu.memory_space<vmem>>, %arg3: memref<1x1xf32, #tpu.memory_space<vmem>>) attributes {dimension_semantics = [], scalar_prefetch = 0 : i64, scratch_operands = 0 : i64, tpu.core_type = #tpu.core_type<tc>} {
    %get3A = arith.constant 0 : index
    %get3A_0 = arith.constant 0 : index
    %get3A_1 = vector.load %arg0[%get3A, %get3A_0] : memref<1024x1024xi32, #tpu.memory_space<vmem>>, vector<1024x1024xi32>
    %convert_element_type3A = arith.sitofp %get3A_1 : vector<1024x1024xi32> to vector<1024x1024xf32>
    %reduce_sum3A = arith.constant dense<0.000000e+00> : vector<1024xf32>
    %reduce_sum3A_2 = vector.multi_reduction <add>, %convert_element_type3A, %reduce_sum3A [1] : vector<1024x1024xf32> to vector<1024xf32>
    %slice3A = vector.extract_strided_slice %reduce_sum3A_2 {offsets = [0], sizes = [1000], strides = [1]} : vector<1024xf32> to vector<1000xf32>
    %get3A_3 = arith.constant 0 : index
    %get3A_4 = arith.constant 0 : index
    %get3A_5 = vector.load %arg2[%get3A_3, %get3A_4] : memref<1000x1xf32, #tpu.memory_space<vmem>>, vector<1000x1xf32>
    %get3A_6 = vector.shape_cast %get3A_5 : vector<1000x1xf32> to vector<1000xf32>
    %mul3A = arith.mulf %slice3A, %get3A_6 : vector<1000xf32>
    %reduce_sum3A_7 = vector.shape_cast %mul3A : vector<1000xf32> to vector<1x1000xf32>
    %reduce_sum3A_8 = arith.constant dense<0.000000e+00> : vector<1xf32>
    %reduce_sum3A_9 = vector.multi_reduction <add>, %reduce_sum3A_7, %reduce_sum3A_8 [1] : vector<1x1000xf32> to vector<1xf32>
    %reduce_sum3A_10 = vector.shape_cast %reduce_sum3A_9 : vector<1xf32> to vector<1x1xf32>
    %reduce_sum3A_11 = vector.extract %reduce_sum3A_10[0, 0] : f32 from vector<1x1xf32>
    %slice3A_12 = vector.extract_strided_slice %convert_element_type3A {offsets = [0, 0], sizes = [1000, 1000], strides = [1, 1]} : vector<1024x1024xf32> to vector<1000x1000xf32>
    %get3A_13 = arith.constant 0 : index
    %get3A_14 = arith.constant 0 : index
    %get3A_15 = vector.load %arg1[%get3A_13, %get3A_14] : memref<1000x1000xf32, #tpu.memory_space<vmem>>, vector<1000x1000xf32>
    %mul3A_16 = arith.mulf %slice3A_12, %get3A_15 : vector<1000x1000xf32>
    %reduce_sum3A_17 = vector.shape_cast %mul3A_16 : vector<1000x1000xf32> to vector<1x1000x1000xf32>
    %reduce_sum3A_18 = arith.constant dense<0.000000e+00> : vector<1xf32>
    %reduce_sum3A_19 = vector.multi_reduction <add>, %reduce_sum3A_17, %reduce_sum3A_18 [1, 2] : vector<1x1000x1000xf32> to vector<1xf32>
    %reduce_sum3A_20 = vector.shape_cast %reduce_sum3A_19 : vector<1xf32> to vector<1x1x1xf32>
    %reduce_sum3A_21 = vector.extract %reduce_sum3A_20[0, 0, 0] : f32 from vector<1x1x1xf32>
    %sub3A = arith.subf %reduce_sum3A_11, %reduce_sum3A_21 : f32
    %mul3A_22 = arith.constant 4.88281239E-6 : f32
    %mul3A_23 = arith.mulf %sub3A, %mul3A_22 : f32
    %reshape3A = vector.broadcast %mul3A_23 : f32 to vector<1x1xf32>
    %swap3A = arith.constant 0 : index
    %swap3A_24 = arith.constant 0 : index
    %swap3A_25 = vector.load %arg3[%swap3A, %swap3A_24] : memref<1x1xf32, #tpu.memory_space<vmem>>, vector<1x1xf32>
    tpu.vector_store %arg3[%swap3A, %swap3A_24], %reshape3A {strides = array<i32>} : memref<1x1xf32, #tpu.memory_space<vmem>>, vector<1x1xf32>,
    return
  }
}

</mosaic_0001>

<sc_bundles>
// kernel: kernel.6.cloned.1.call-start
scs
__scs_entry_jumppad:
0x0: {  	(pc) =	sbr.rel $0x88, $3  }
0x1: {  	(tag) =	ssettag $0x0;
	lr =	simm.s32 $0x1  }
0x2: {  	[smem:$0x3F9E] =	sst lr;
	_ =	strace $0xD0000000  }
0x3: {  	_ = 	snop  }
0x4: {  	_ = 	snop  }
0x5: {  	_ = 	snop  }
0x6: {  	_ = 	snop  }
0x7: {  	_ = 	snop  }
__scs_overlays_trampoline_lowered:
0x8: {  	[smem:$0x3FAD] =	sst s0  }
0x9: {  	[smem:$0x3FAE] =	sst s1  }
0xa: {  	[smem:$0x3FAF] =	sst s2  }
0xb: {  	[smem:$0x3FB0] =	sst s3  }
0xc: {  	[smem:$0x3FB1] =	sst s4  }
0xd: {  	[smem:$0x3FB2] =	sst s5  }
0xe: {  	[smem:$0x3FB3] =	sst s6  }
0xf: {  	[smem:$0x3FB4] =	sst s7  }
0x10: {  	[smem:$0x3FB5] =	sst s8  }
0x11: {  	[smem:$0x3FB6] =	sst s9;
	s0 =	simm.s32 @!p0 $0x0  }
0x12: {  	s1 =	sld [smem:$0x3F9C];
	s0 =	simm.s32 @p0 $0x1  }
0x13: {  	[smem:$0x3FB7] =	sst s0;
	s0 =	simm.s32 @!p1 $0x0  }
0x14: {  	s2 =	sld [smem:$0x3F9B];
	s0 =	simm.s32 @p1 $0x1  }
0x15: {  	[smem:$0x3FB8] =	sst s0;
	s0 =	simm.s32 @!p2 $0x0  }
0x16: {  	s3 =	sld [smem:$0x3FDB];
	s0 =	simm.s32 @p2 $0x1  }
0x17: {  	s4 =	simm.s32 $0x1BF5;
	[smem:$0x3FBA] =	sst s0  }
0x18: {  	s0 =	sld [smem:$0x3F9D];
	_ =	swait.ge [sflag:s4], $0x0  }
0x19: {  	s7 =	sld [smem:$0x3F9E]  }
0x1a: {  	s8 =	sadd.s32 $0xFFFFE003, lr  }
0x1b: {  	s9 =	sadd.s32 $0xFFFFFEF7, lr;
	s5 =	simm.s32 $0xFFFFFFFF;
	p2 =	slt.u32 s8, $0xFFFFF086  }
0x1c: {  	p1 =	slt.u32 s9, $0xF7A;
	s5 =	simm.s32 @!p2 $0x0  }
0x1d: {  	s5 =	simm.s32 @p1 $0x1;
	p0 =	seq.s32 s7, s2  }
0x1e: {  	s7 =	smul.u32 @!p0 $0xF7A, s2;
	p2 =	seq.s32 @!p0 s5, $0x0  }
0x1f: {  	s9 =	smul.u32 $0xF7A, s1;
	s8 =	simm.s32 @!p0 $0x1BF5;
	p2 =	por !p2, p0  }
0x20: {  	[sflag:s8] =	ssyncset.s32 @!p0 $0xFFFFF086;
	s6 =	sadd.s32 @!p0 s3, s7;
	s7 =	simm.s32 @!p0 $0x108  }
0x21: {  	s3 =	sadd.s32 s3, s9;
	s6 =	sadd.s32 @!p0 $0x88, s6;
	s7 =	simm.s32 @p2 $0x1082  }
0x22: {  	[simem:s7], [sflag:s8] =	dma.local @!p0 [hbm:s6], $0xF7A  }
0x23: {  	s9 =	sor.u32 $0xD0000000, s2;
	s6 =	simm.s32 $0x108;
	_ =	swait.ge @!p0 [sflag:s8], $0x0  }
0x24: {  	s3 =	sadd.s32 $0x88, s3;
	s6 =	simm.s32 @!p1 $0x1082;
	[sflag:s4] =	ssyncset.s32 $0xFFFFF086  }
0x25: {  	[simem:s6], [sflag:s4] =	dma.local [hbm:s3], $0xF7A  }
0x26: {  	[smem:$0x3F9E] =	sst s1;
	(tag) =	ssettag s2;
	_ =	strace s9  }
0x27: {  	s1 =	sld [smem:$0x3FAE]  }
0x28: {  	s2 =	sld [smem:$0x3FAF]  }
0x29: {  	s4 =	sld [smem:$0x3FB1]  }
0x2a: {  	p0 =	seq.s32 s5, $0x0;
	s5 =	sld [smem:$0x3FB2]  }
0x2b: {  	s6 =	sld [smem:$0x3FB3]  }
0x2c: {  	s7 =	sld [smem:$0x3FB4]  }
0x2d: {  	s3 =	simm.s32 $0x108;
	s8 =	sld [smem:$0x3FB5]  }
0x2e: {  	s3 =	simm.s32 @!p0 $0x1082;
	s9 =	sld [smem:$0x3FB6]  }
0x2f: {  	lr =	sadd.s32 s0, s3;
	s0 =	sld [smem:$0x3FAD]  }
0x30: {  	s3 =	sld [smem:$0x3FB0]  }
0x31: {  	[smem:$0x3FB9] =	sst s10  }
0x32: {  	s10 =	sld [smem:$0x3FB7];
	_ =	sdelay $0x3  }
0x33: {  	p0 =	seq.s32 s10, $0x1;
	s10 =	sld [smem:$0x3FB9];
	_ =	sdelay $0x3  }
0x34: {  	[smem:$0x3FB9] =	sst s10  }
0x35: {  	s10 =	sld [smem:$0x3FB8];
	_ =	sdelay $0x3  }
0x36: {  	p1 =	seq.s32 s10, $0x1;
	s10 =	sld [smem:$0x3FB9];
	_ =	sdelay $0x3  }
0x37: {  	[smem:$0x3FB9] =	sst s10  }
0x38: {  	s10 =	sld [smem:$0x3FBA]  }
0x39: {  	_ = 	snop;
	(pc) =	sbr.ind lr, $3  }
0x3a: {  	_ = 	snop  }
0x3b: {  	_ = 	snop  }
0x3c: {  	p2 =	seq.s32 s10, $0x1;
	s10 =	sld [smem:$0x3FB9]  }
0x3d: {  	_ =	shalt  }
0x3e: {  	_ =	shalt  }
0x3f: {  	_ =	shalt  }
0x40: {  	_ =	shalt  }
0x41: {  	_ =	shalt  }
0x42: {  	_ =	shalt  }
0x43: {  	_ =	shalt  }
0x44: {  	_ =	shalt  }
0x45: {  	_ =	shalt  }
0x46: {  	_ =	shalt  }
0x47: {  	_ =	shalt  }
0x48: {  	_ =	shalt  }
0x49: {  	_ =	shalt  }
0x4a: {  	_ =	shalt  }
0x4b: {  	_ =	shalt  }
0x4c: {  	_ =	shalt  }
0x4d: {  	_ =	shalt  }
0x4e: {  	_ =	shalt  }
0x4f: {  	_ =	shalt  }
0x50: {  	_ =	shalt  }
0x51: {  	_ =	shalt  }
0x52: {  	_ =	shalt  }
0x53: {  	_ =	shalt  }
0x54: {  	_ =	shalt  }
0x55: {  	_ =	shalt  }
0x56: {  	_ =	shalt  }
0x57: {  	_ =	shalt  }
0x58: {  	_ =	shalt  }
0x59: {  	_ =	shalt  }
0x5a: {  	_ =	shalt  }
0x5b: {  	_ =	shalt  }
0x5c: {  	_ =	shalt  }
0x5d: {  	_ =	shalt  }
0x5e: {  	_ =	shalt  }
0x5f: {  	_ =	shalt  }
0x60: {  	_ =	shalt  }
0x61: {  	_ =	shalt  }
0x62: {  	_ =	shalt  }
0x63: {  	_ =	shalt  }
0x64: {  	_ =	shalt  }
0x65: {  	_ =	shalt  }
0x66: {  	_ =	shalt  }
0x67: {  	_ =	shalt  }
0x68: {  	_ =	shalt  }
0x69: {  	_ =	shalt  }
0x6a: {  	_ =	shalt  }
0x6b: {  	_ =	shalt  }
0x6c: {  	_ =	shalt  }
0x6d: {  	_ =	shalt  }
0x6e: {  	_ =	shalt  }
0x6f: {  	_ =	shalt  }
0x70: {  	_ =	shalt  }
0x71: {  	_ =	shalt  }
0x72: {  	_ =	shalt  }
0x73: {  	_ =	shalt  }
0x74: {  	_ =	shalt  }
0x75: {  	_ =	shalt  }
0x76: {  	_ =	shalt  }
0x77: {  	_ =	shalt  }
0x78: {  	_ =	shalt  }
0x79: {  	_ =	shalt  }
0x7a: {  	_ =	shalt  }
0x7b: {  	_ =	shalt  }
0x7c: {  	_ =	shalt  }
0x7d: {  	_ =	shalt  }
0x7e: {  	_ =	shalt  }
0x7f: {  	_ =	shalt  }
0x80: {  	_ =	shalt  }
0x81: {  	_ =	shalt  }
0x82: {  	_ =	shalt  }
0x83: {  	_ =	shalt  }
0x84: {  	_ =	shalt  }
0x85: {  	_ =	shalt  }
0x86: {  	_ =	shalt  }
0x87: {  	_ =	shalt  }
.Lfunc_end0:
.L_simem_size_0:
called_computation.1_lowered:
.L_overlay_start_0:
0x88: {  	s2 =	sld [smem:$0x3FD9]  }
0x89: {  	s3 =	sld [smem:$0x3FFE];
	_ =	sdelay $0x1  }
0x8a: {  	s1 =	srdreg.scid  }
0x8b: {  	s0 =	sand.u32 $0x1, s1  }
0x8c: {  	s14 =	sshll.u32 s0, $0xA;
	s2 =	sadd.s32 s3, s2  }
0x8d: {  	s2 =	sadd.s32 s2, s14  }
0x8e: {  	[smem:$0x3FC5] =	sst s2  }
0x8f: {  	_ = 	snop  }
0x90: {  	s2 =	sld [smem:$0x3FD0];
	_ =	sdelay $0x2  }
0x91: {  	s15 =	simm.s32 $0xA;
	s4 =	simm.s32 $0x10  }
0x92: {  	[smem:s4], [sflag:s15] =	dma.local [hbm:s2], $0x1  }
0x93: {  	_ =	swait.eq [sflag:s15], $0x1  }
0x94: {  	[sflag:s15] =	ssyncset.done $0x0  }
0x95: {  	[sflag:s15] =	ssyncadd.s32 $0xFFFFFFFF  }
0x96: {  	s16 =	sld [smem:$0x10];
	(tm) =	ssettm $0x1  }
0x97: {  	s17 =	sld [smem:$0x3FFB];
	_ =	sdelay $0x3  }
0x98: {  	_ =	strace s17  }
0x99: {  	s3 =	sld [smem:$0x3FFC];
	_ =	sdelay $0x3  }
0x9a: {  	_ =	strace s3  }
0x9b: {  	s3 =	sld [smem:$0x3FFD];
	_ =	sdelay $0x3  }
0x9c: {  	_ =	strace s3  }
0x9d: {  	_ =	strace $0x8FFFFFFF  }
0x9e: {  	s18 =	sld [smem:$0x3FDB];
	_ =	sdelay $0x1  }
0x9f: {  	s19 =	simm.s32 $_scs_section_size  }
0xa0: {  	s5 =	simm.s32 $_size__tile_overlayer_lowered;
	s6 =	simm.s32 $_tile_overlayer_lowered  }
0xa1: {  	s22 =	simm.s32 $0x1BFF;
	s21 =	sshll.u32 s6, $0x1;
	s3 =	sadd.s32 s19, s18  }
0xa2: {  	s7 =	simm.s32 $0x0;
	s20 =	sshll.u32 s5, $0x1;
	s5 =	sadd.s32 s21, s3  }
0xa3: {  	[timem:s7], [sflag:s22] =	dma.local [hbm:s5], s20  }
0xa4: {  	_ =	swait.ge [sflag:s22], s20  }
0xa5: {  	s4 =	ssub.s32 $0x0, s20;
	[sflag:s22] =	ssyncset.done $0x0  }
0xa6: {  	[sflag:s22] =	ssyncadd.s32 s4;
	_ =	sdelay $0x1  }
0xa7: {  	s23 =	simm.s32 $0x1B8B  }
0xa8: {  	_ =	swait.ge [sflag:s23], $0x1  }
0xa9: {  	[sflag:s23] =	ssyncset.done $0x0  }
0xaa: {  	s25 =	simm.s32 $0x1B8E;
	s24 =	sld [smem:$0x3FFE];
	[sflag:s23] =	ssyncadd.s32 $0xFFFFFFFF  }
0xab: {  	s26 =	simm.s32 $execute0_lowered;
	[smem:$0x3FD2] =	sst s25  }
0xac: {  	s5 =	sshll.u32 s26, $0x1;
	_ =	strace $0x80000046;
	[dreg:$0x1] =	wrdreg $0xFFFFFFFF  }
0xad: {  	s28 =	simm.s32 $_size_execute0_lowered;
	s3 =	sadd.s32 s3, s5;
	[dreg:$0x0] =	wrdreg $0x0  }
0xae: {  	s5 =	sshll.u32 s28, $0x1;
	[dreg:$0x2] =	wrdreg s3  }
0xaf: {  	[dreg:$0x3] =	wrdreg s5  }
0xb0: {  	[dreg:$0x4] =	wrdreg $0xC0  }
0xb1: {  	_ =	task [dreg:s7], $0x5FFFF  }
0xb2: {  	[dreg:$0x1] =	wrdreg $0xFFFFFFFF  }
0xb3: {  	[dreg:$0x0] =	wrdreg $0x60  }
0xb4: {  	[dreg:$0x2] =	wrdreg s24  }
0xb5: {  	[dreg:$0x3] =	wrdreg s16  }
0xb6: {  	[dreg:$0x4] =	wrdreg $0x9  }
0xb7: {  	_ =	task.clear_ibuf [dreg:s7], $0x5FFFF;
	_ =	strace $0x90000046  }
0xb8: {  	s29 =	simm.s32 $0x9;
	_ =	strace $0x80000048  }
0xb9: {  	_ =	swait.ge [sflag:s29], $0x1  }
0xba: {  	[sflag:s29] =	ssyncadd.s32 $0xFFFFFFFF  }
0xbb: {  	_ =	strace $0x90000048  }
0xbc: {  	_ =	sfence  }
0xbd: {  	s30 =	sld [smem:$0x0];
	_ =	sdelay $0x2  }
0xbe: {  	s31 =	sshll.u32 s1, $0xD;
	s1 =	sshrl.u32 s1, $0x2  }
0xbf: {  	s3 =	sand.u32 $0x4000, s31;
	s1 =	sadd.s32 s1, s30  }
0xc0: {  	s0 =	sor.u32 s3, s0;
	s1 =	sshll.u32 s1, $0x11  }
0xc1: {  	s0 =	sor.u32 s1, s0  }
0xc2: {  	s0 =	sadd.s32 $0x8F2B, s0  }
0xc3: {  	[sflag:s0] =	ssyncadd.remote.s32 $0x1  }
0xc4: {  	_ =	sfence.sel $0xFFFF  }
0xc5: {  	[dreg:$0x0] =	wrdreg $0xFFFFFFFF;
	(pc) =	sbr.abs _section_cstart, $3  }
0xc6: {  	[dreg:$0x1] =	wrdreg $0xFFFFFFFF  }
0xc7: {  	_ =	task.clear_ibuf [dreg:s7], $0x2FFFF;
	_ =	strace $0x9FFFFFFF  }
0xc8: {  	(tm) =	ssettm $0x7FFFFFFF  }
0xc9: {  	_ =	shalt  }
tec
execute0_lowered:
.L_overlay_start_1:
0x0: {  	(tag) =	ssettag $0x1  }
0x1: {  	s0 =	rddreg [dreg:$0x0];
	s1 =	srdreg.scid  }
0x2: {  	s11 =	stileid.u32;
	s4 =	rddreg [dreg:$0x1]  }
0x3: {  	s2 =	simm.s32 $0x0;
	s12 =	simm.s32 $0x1900;
	s16 =	simm.s32 $0x3900  }
0x4: {  	s20 =	simm.s32 $0x5900;
	s29 =	simm.s32 $0x9900;
	s17 =	simm.s32 $0xF900  }
0x5: {  	s22 =	simm.s32 $0x11900;
	s28 =	simm.s32 $0x13900;
	s18 =	simm.s32 $0x3  }
0x6: {  	s19 =	simm.s32 $0x2;
	s21 =	simm.s32 $0xD500;
	s6 =	smul.u32 $0x190000, s11  }
0x7: {  	s1 =	sand.u32 $0x1, s1;
	s3 =	sshll.u32 s11, $0x1;
	s11 =	smul.u32 $0x32000, s11  }
0x8: {  	s30 =	simm.s32 $0x15500;
	[smem:$0x7FF] =	sst s2;
	s10 =	smul.u32 $0xC8000, s1  }
0x9: {  	s3 =	sor.u32 s1, s3;
	s7 =	ssub.s32 $0x2, s1;
	s1 =	smul.u32 $0x19000, s1  }
0xa: {  	s31 =	simm.s32 $0x4;
	_ =	strace $0x80000047;
	s5 =	smul.u32 $0x1900, s3  }
0xb: {  	s3 =	sadd.s32 $0xF800, s0;
	s8 =	sadd.s32 s6, s0;
	s23 =	sshrl.u32 s7, $0x1  }
0xc: {  	s6 =	sadd.s32 $0xFA00, s0;
	s26 =	sadd.s32 s11, s4;
	s11 =	simm.s32 $0xD900  }
0xd: {  	s4 =	simm.s32 $0x1;
	s9 =	ssub.s32 s7, s23;
	s7 =	sadd.s32 $0xFB00, s0  }
0xe: {  	s24 =	sadd.s32 s10, s8;
	s10 =	sadd.s32 s1, s26;
	s23 =	simm.s32 $0xF500  }
.Ltmp0:
0xf: {  	s26 =	simm.s32 $0x13500;
	s5 =	sshrl.u32 s5, $0x3;
	(pc) =	sbr.rel .LBB2_1-.Ltmp0, $4  }
0x10: {  	s8 =	simm.s32 $0x0;
	s25 =	smax.u32 s9, $0x1;
	s5 =	sadd.s32 s5, s0  }
0x11: {  	v2 =	vlaneseq.u32;
	[dreg:$0x4] =	wrdreg s25;
	s25 =	simm.s32 $0x11500;
	s5 =	sadd.s32 $0x9400, s5  }
0x12: {  	vm0 =	vmmov $0xffff;
	v1 =	vshrl.u32 v2, $0x3;
	[dreg:$0x3] =	wrdreg s5;
	s5 =	sadd.s32 $0xF900, s0;
	s0 =	sadd.s32 $0x2EC00, s24  }
0x13: {  	v0 =	vand.u32 $0x7, v2;
	v2 =	vor.u32 $0x8, v2;
	v1 =	vmul.u32 $0x8, v1;
	s24 =	simm.s32 $0x7900;
	[dreg:$0x5] =	wrdreg s0;
	s0 =	simm.s32 $0xB900  }
.LBB2_6:
0x14: {  	s8 =	rddreg [dreg:$0x6]  }
0x15: {  	s1 =	rddreg [dreg:$0x4];
	s8 =	sadd.s32 $0x1, s8  }
0x16: {  	p0 =	sne.s32 s8, s1  }
.Ltmp1:
0x17: {  	_ = 	snop;
	(pc) =	sbr.rel @!p0 .LBB2_7-.Ltmp1, $1  }
0x18: {  	_ =	sdelay $0x3  }
.LBB2_1:
0x19: {  	[dreg:$0x6] =	wrdreg s8  }
0x1a: {  	s1 =	rddreg [dreg:$0x3];
	s15 =	simm.s32 $0x5  }
0x1b: {  	[tilespmem:s2], [sflag:$0x5] =	stream.linear.gather [hbm4b:s1+s2], $0x1900, $0x38;
	[tilespmem:$0x15900] =	vst v63  }
0x1c: {  	_ =	swait.ge [sflag:s15], $0x1900  }
0x1d: {  	[sflag:s15] =	ssyncset.done $0x0  }
0x1e: {  	[sflag:s15] =	ssyncadd.s32 $0xFFFFE700  }
0x1f: {  	v3 =	vld [tilespmem:$0x0];
	_ =	sdelay $0x4  }
0x20: {  	v4 =	vshll.u32 v3, $0x3  }
0x21: {  	v3 =	vand.u32 $0x7, v3;
	v4 =	vand.u32 $0xFFFFFFC0, v4  }
0x22: {  	v3 =	vor.u32 v3, v4  }
0x23: {  	v4 =	vperm.xlane v3, v0;
	_ =	sdelay $0x1  }
0x24: {  	v4 =	vadd.s32 v1, v4;
	_ =	sdelay $0x4  }
0x25: {  	[tilespmem:s12], [sflag:$0x1] =	stream.indirect_vreg.gather [hbm4b:s3+s2], $0x80, v4, vm0, $0xb8;
	[tilespmem:$0x15900] =	vst v63  }
0x26: {  	s8 =	simm.s32 $0x2100;
	v3 =	vperm.xlane v3, v2  }
0x27: {  	[tilespmem:s8], [sflag:$0x1] =	stream.indirect_vreg.gather [hbm4b:s5+s2], $0x80, v4, vm0, $0xb8;
	[tilespmem:$0x15900] =	vst v63  }
0x28: {  	s9 =	simm.s32 $0x2900;
	v3 =	vadd.s32 v1, v3  }
0x29: {  	[tilespmem:s9], [sflag:$0x1] =	stream.indirect_vreg.gather [hbm4b:s6+s2], $0x80, v4, vm0, $0xb8;
	[tilespmem:$0x15900] =	vst v63  }
0x2a: {  	s13 =	simm.s32 $0x3100  }
0x2b: {  	[tilespmem:s13], [sflag:$0x1] =	stream.indirect_vreg.gather [hbm4b:s7+s2], $0x80, v4, vm0, $0xb8;
	[tilespmem:$0x15900] =	vst v63  }
0x2c: {  	_ = 	snop  }
0x2d: {  	[tilespmem:s16], [sflag:$0x1] =	stream.indirect_vreg.gather [hbm4b:s3+s2], $0x80, v3, vm0, $0xb8;
	[tilespmem:$0x15900] =	vst v63  }
0x2e: {  	s14 =	simm.s32 $0x4100  }
0x2f: {  	[tilespmem:s14], [sflag:$0x1] =	stream.indirect_vreg.gather [hbm4b:s5+s2], $0x80, v3, vm0, $0xb8;
	[tilespmem:$0x15900] =	vst v63  }
0x30: {  	s15 =	simm.s32 $0x4900  }
0x31: {  	[tilespmem:s15], [sflag:$0x1] =	stream.indirect_vreg.gather [hbm4b:s6+s2], $0x80, v3, vm0, $0xb8;
	[tilespmem:$0x15900] =	vst v63  }
0x32: {  	s8 =	simm.s32 $0x5100  }
0x33: {  	[tilespmem:s8], [sflag:$0x1] =	stream.indirect_vreg.gather [hbm4b:s7+s2], $0x80, v3, vm0, $0xb8;
	[tilespmem:$0x15900] =	vst v63  }
0x34: {  	v3 =	vld [tilespmem:$0x10];
	_ =	sdelay $0x4  }
0x35: {  	v59 =	vshll.u32 v3, $0x3  }
0x36: {  	v3 =	vand.u32 $0x7, v3;
	v4 =	vand.u32 $0xFFFFFFC0, v59  }
0x37: {  	v3 =	vor.u32 v3, v4  }
0x38: {  	v4 =	vperm.xlane v3, v0;
	_ =	sdelay $0x1  }
0x39: {  	v4 =	vadd.s32 v1, v4;
	_ =	sdelay $0x4  }
0x3a: {  	[tilespmem:s20], [sflag:$0x1] =	stream.indirect_vreg.gather [hbm4b:s3+s2], $0x80, v4, vm0, $0xb8;
	[tilespmem:$0x15900] =	vst v63  }
0x3b: {  	s9 =	simm.s32 $0x6100;
	v3 =	vperm.xlane v3, v2  }
0x3c: {  	[tilespmem:s9], [sflag:$0x1] =	stream.indirect_vreg.gather [hbm4b:s5+s2], $0x80, v4, vm0, $0xb8;
	[tilespmem:$0x15900] =	vst v63  }
0x3d: {  	s13 =	simm.s32 $0x6900;
	v3 =	vadd.s32 v1, v3  }
0x3e: {  	[tilespmem:s13], [sflag:$0x1] =	stream.indirect_vreg.gather [hbm4b:s6+s2], $0x80, v4, vm0, $0xb8;
	[tilespmem:$0x15900] =	vst v63  }
0x3f: {  	s14 =	simm.s32 $0x7100  }
0x40: {  	[tilespmem:s14], [sflag:$0x1] =	stream.indirect_vreg.gather [hbm4b:s7+s2], $0x80, v4, vm0, $0xb8;
	[tilespmem:$0x15900] =	vst v63  }
0x41: {  	_ = 	snop  }
0x42: {  	[tilespmem:s24], [sflag:$0x1] =	stream.indirect_vreg.gather [hbm4b:s3+s2], $0x80, v3, vm0, $0xb8;
	[tilespmem:$0x15900] =	vst v63  }
0x43: {  	s15 =	simm.s32 $0x8100  }
0x44: {  	[tilespmem:s15], [sflag:$0x1] =	stream.indirect_vreg.gather [hbm4b:s5+s2], $0x80, v3, vm0, $0xb8;
	[tilespmem:$0x15900] =	vst v63  }
0x45: {  	s8 =	simm.s32 $0x8900  }
0x46: {  	[tilespmem:s8], [sflag:$0x1] =	stream.indirect_vreg.gather [hbm4b:s6+s2], $0x80, v3, vm0, $0xb8;
	[tilespmem:$0x15900] =	vst v63  }
0x47: {  	s9 =	simm.s32 $0x9100  }
0x48: {  	[tilespmem:s9], [sflag:$0x1] =	stream.indirect_vreg.gather [hbm4b:s7+s2], $0x80, v3, vm0, $0xb8;
	[tilespmem:$0x15900] =	vst v63  }
0x49: {  	v3 =	vld.msk [tilespmem:$0x20], $0xff;
	_ =	sdelay $0x4  }
0x4a: {  	v60 =	vshll.u32 v3, $0x3  }
0x4b: {  	v3 =	vand.u32 $0x7, v3;
	v4 =	vand.u32 $0xFFFFFFC0, v60  }
0x4c: {  	v3 =	vor.u32 v3, v4  }
0x4d: {  	v3 =	vperm.xlane v3, v0;
	_ =	sdelay $0x1  }
0x4e: {  	v3 =	vadd.s32 v1, v3;
	_ =	sdelay $0x4  }
0x4f: {  	[tilespmem:s29], [sflag:$0x1] =	stream.indirect_vreg.gather [hbm4b:s3+s2], $0x80, v3, vm0, $0xb8;
	[tilespmem:$0x15900] =	vst v63  }
0x50: {  	s13 =	simm.s32 $0xA100  }
0x51: {  	[tilespmem:s13], [sflag:$0x1] =	stream.indirect_vreg.gather [hbm4b:s5+s2], $0x80, v3, vm0, $0xb8;
	[tilespmem:$0x15900] =	vst v63  }
0x52: {  	s14 =	simm.s32 $0xA900  }
0x53: {  	[tilespmem:s14], [sflag:$0x1] =	stream.indirect_vreg.gather [hbm4b:s6+s2], $0x80, v3, vm0, $0xb8;
	[tilespmem:$0x15900] =	vst v63  }
0x54: {  	s15 =	simm.s32 $0xB100  }
0x55: {  	[tilespmem:s15], [sflag:$0x1] =	stream.indirect_vreg.gather [hbm4b:s7+s2], $0x80, v3, vm0, $0xb8;
	[tilespmem:$0x15900] =	vst v63  }
0x56: {  	v3 =	vld [tilespmem:$0x28];
	_ =	sdelay $0x4  }
0x57: {  	v61 =	vshll.u32 v3, $0x3  }
0x58: {  	v3 =	vand.u32 $0x7, v3;
	v4 =	vand.u32 $0xFFFFFFC0, v61  }
0x59: {  	v3 =	vor.u32 v3, v4  }
0x5a: {  	v4 =	vperm.xlane v3, v0;
	_ =	sdelay $0x1  }
0x5b: {  	v4 =	vadd.s32 v1, v4;
	_ =	sdelay $0x4  }
0x5c: {  	[tilespmem:s0], [sflag:$0x2] =	stream.indirect_vreg.gather [hbm4b:s3+s2], $0x80, v4, vm0, $0xb8;
	[tilespmem:$0x15900] =	vst v63  }
0x5d: {  	s8 =	simm.s32 $0xC100;
	v3 =	vperm.xlane v3, v2  }
0x5e: {  	[tilespmem:s8], [sflag:$0x2] =	stream.indirect_vreg.gather [hbm4b:s5+s2], $0x80, v4, vm0, $0xb8;
	[tilespmem:$0x15900] =	vst v63  }
0x5f: {  	s9 =	simm.s32 $0xC900;
	v3 =	vadd.s32 v1, v3  }
0x60: {  	[tilespmem:s9], [sflag:$0x2] =	stream.indirect_vreg.gather [hbm4b:s6+s2], $0x80, v4, vm0, $0xb8;
	[tilespmem:$0x15900] =	vst v63  }
0x61: {  	s13 =	simm.s32 $0xD100  }
0x62: {  	[tilespmem:s13], [sflag:$0x2] =	stream.indirect_vreg.gather [hbm4b:s7+s2], $0x80, v4, vm0, $0xb8;
	[tilespmem:$0x15900] =	vst v63  }
0x63: {  	_ = 	snop  }
0x64: {  	[tilespmem:s11], [sflag:$0x2] =	stream.indirect_vreg.gather [hbm4b:s3+s2], $0x80, v3, vm0, $0xb8;
	[tilespmem:$0x15900] =	vst v63  }
0x65: {  	s14 =	simm.s32 $0xE100  }
0x66: {  	[tilespmem:s14], [sflag:$0x2] =	stream.indirect_vreg.gather [hbm4b:s5+s2], $0x80, v3, vm0, $0xb8;
	[tilespmem:$0x15900] =	vst v63  }
0x67: {  	s15 =	simm.s32 $0xE900  }
0x68: {  	[tilespmem:s15], [sflag:$0x2] =	stream.indirect_vreg.gather [hbm4b:s6+s2], $0x80, v3, vm0, $0xb8;
	[tilespmem:$0x15900] =	vst v63  }
0x69: {  	s8 =	simm.s32 $0xF100  }
0x6a: {  	[tilespmem:s8], [sflag:$0x2] =	stream.indirect_vreg.gather [hbm4b:s7+s2], $0x80, v3, vm0, $0xb8;
	[tilespmem:$0x15900] =	vst v63  }
0x6b: {  	v3 =	vld [tilespmem:$0x38];
	_ =	sdelay $0x4  }
0x6c: {  	v62 =	vshll.u32 v3, $0x3  }
0x6d: {  	v3 =	vand.u32 $0x7, v3;
	v4 =	vand.u32 $0xFFFFFFC0, v62  }
0x6e: {  	v3 =	vor.u32 v3, v4  }
0x6f: {  	v4 =	vperm.xlane v3, v0;
	_ =	sdelay $0x1  }
0x70: {  	v4 =	vadd.s32 v1, v4;
	_ =	sdelay $0x4  }
0x71: {  	[tilespmem:s17], [sflag:$0x2] =	stream.indirect_vreg.gather [hbm4b:s3+s2], $0x80, v4, vm0, $0xb8;
	[tilespmem:$0x15900] =	vst v63  }
0x72: {  	s9 =	simm.s32 $0x10100;
	v3 =	vperm.xlane v3, v2  }
0x73: {  	[tilespmem:s9], [sflag:$0x2] =	stream.indirect_vreg.gather [hbm4b:s5+s2], $0x80, v4, vm0, $0xb8;
	[tilespmem:$0x15900] =	vst v63  }
0x74: {  	s13 =	simm.s32 $0x10900;
	v3 =	vadd.s32 v1, v3  }
0x75: {  	[tilespmem:s13], [sflag:$0x2] =	stream.indirect_vreg.gather [hbm4b:s6+s2], $0x80, v4, vm0, $0xb8;
	[tilespmem:$0x15900] =	vst v63  }
0x76: {  	s14 =	simm.s32 $0x11100  }
0x77: {  	[tilespmem:s14], [sflag:$0x2] =	stream.indirect_vreg.gather [hbm4b:s7+s2], $0x80, v4, vm0, $0xb8;
	[tilespmem:$0x15900] =	vst v63  }
0x78: {  	_ = 	snop  }
0x79: {  	[tilespmem:s22], [sflag:$0x2] =	stream.indirect_vreg.gather [hbm4b:s3+s2], $0x80, v3, vm0, $0xb8;
	[tilespmem:$0x15900] =	vst v63  }
0x7a: {  	s15 =	simm.s32 $0x12100  }
0x7b: {  	[tilespmem:s15], [sflag:$0x2] =	stream.indirect_vreg.gather [hbm4b:s5+s2], $0x80, v3, vm0, $0xb8;
	[tilespmem:$0x15900] =	vst v63  }
0x7c: {  	s8 =	simm.s32 $0x12900  }
0x7d: {  	[tilespmem:s8], [sflag:$0x2] =	stream.indirect_vreg.gather [hbm4b:s6+s2], $0x80, v3, vm0, $0xb8;
	[tilespmem:$0x15900] =	vst v63  }
0x7e: {  	s9 =	simm.s32 $0x13100  }
0x7f: {  	[tilespmem:s9], [sflag:$0x2] =	stream.indirect_vreg.gather [hbm4b:s7+s2], $0x80, v3, vm0, $0xb8;
	[tilespmem:$0x15900] =	vst v63  }
0x80: {  	v3 =	vld.msk [tilespmem:$0x48], $0xff;
	_ =	sdelay $0x4  }
0x81: {  	v63 =	vshll.u32 v3, $0x3  }
0x82: {  	v3 =	vand.u32 $0x7, v3;
	v4 =	vand.u32 $0xFFFFFFC0, v63  }
0x83: {  	v3 =	vor.u32 v3, v4  }
0x84: {  	v3 =	vperm.xlane v3, v0;
	_ =	sdelay $0x1  }
0x85: {  	v3 =	vadd.s32 v1, v3;
	_ =	sdelay $0x4  }
0x86: {  	[tilespmem:s28], [sflag:$0x2] =	stream.indirect_vreg.gather [hbm4b:s3+s2], $0x80, v3, vm0, $0xb8;
	[tilespmem:$0x15900] =	vst v63  }
0x87: {  	s13 =	simm.s32 $0x14100  }
0x88: {  	[tilespmem:s13], [sflag:$0x2] =	stream.indirect_vreg.gather [hbm4b:s5+s2], $0x80, v3, vm0, $0xb8;
	[tilespmem:$0x15900] =	vst v63  }
0x89: {  	s1 =	simm.s32 $0x98;
	s14 =	simm.s32 $0x14900  }
0x8a: {  	[tilespmem:s14], [sflag:$0x2] =	stream.indirect_vreg.gather [hbm4b:s6+s2], $0x80, v3, vm0, $0xb8;
	[tilespmem:$0x15900] =	vst v63  }
0x8b: {  	s15 =	simm.s32 $0x15100;
	s8 =	rddreg [dreg:$0x5];
	s9 =	simm.s32 $0x0  }
0x8c: {  	[tilespmem:s15], [sflag:$0x2] =	stream.indirect_vreg.gather [hbm4b:s7+s2], $0x80, v3, vm0, $0xb8;
	[tilespmem:$0x15900] =	vst v63  }
.LBB2_2:
0x8d: {  	_ =	swait.ge [sflag:s4], $0xA000  }
0x8e: {  	[sflag:s4] =	ssyncset.done $0x0  }
0x8f: {  	[sflag:s4] =	ssyncadd.s32 $0xFFFF6000  }
0x90: {  	[hbm4b:s8+s2] =	stream.linear.scatter [tilespmem:s12], [sflag:$0x3], $0x1C00, $0x38;
	[tilespmem:$0x15900] =	vst v63  }
0x91: {  	s13 =	sadd.s32 $0x400, s8  }
0x92: {  	[hbm4b:s13+s2] =	stream.linear.scatter [tilespmem:s16], [sflag:$0x3], $0x1C00, $0x38;
	[tilespmem:$0x15900] =	vst v63  }
0x93: {  	s15 =	sadd.s32 $0x800, s8  }
0x94: {  	[hbm4b:s15+s2] =	stream.linear.scatter [tilespmem:s20], [sflag:$0x3], $0x1C00, $0x38;
	[tilespmem:$0x15900] =	vst v63  }
0x95: {  	s14 =	sadd.s32 $0xC00, s8  }
0x96: {  	[hbm4b:s14+s2] =	stream.linear.scatter [tilespmem:s24], [sflag:$0x3], $0x1C00, $0x38;
	[tilespmem:$0x15900] =	vst v63  }
0x97: {  	s15 =	sadd.s32 $0x1000, s8  }
0x98: {  	[hbm4b:s15+s2] =	stream.linear.scatter [tilespmem:s29], [sflag:$0x3], $0x1C00, $0x38;
	[tilespmem:$0x15900] =	vst v63  }
0x99: {  	s13 =	sadd.s32 s9, s10;
	s14 =	simm.s32 $0x3500  }
0x9a: {  	[hbm4b:s13+s2] =	stream.linear.scatter [tilespmem:s14], [sflag:$0x3], $0x400, $0x38;
	[tilespmem:$0x15900] =	vst v63  }
0x9b: {  	s15 =	simm.s32 $0x5500;
	s14 =	sadd.s32 $0x80, s13  }
0x9c: {  	[hbm4b:s14+s2] =	stream.linear.scatter [tilespmem:s15], [sflag:$0x3], $0x400, $0x38;
	[tilespmem:$0x15900] =	vst v63  }
0x9d: {  	s14 =	sadd.s32 $0x100, s13;
	s15 =	simm.s32 $0x7500  }
0x9e: {  	[hbm4b:s14+s2] =	stream.linear.scatter [tilespmem:s15], [sflag:$0x3], $0x400, $0x38;
	[tilespmem:$0x15900] =	vst v63  }
0x9f: {  	s14 =	sadd.s32 $0x180, s13;
	s15 =	simm.s32 $0x9500  }
0xa0: {  	[hbm4b:s14+s2] =	stream.linear.scatter [tilespmem:s15], [sflag:$0x3], $0x400, $0x38;
	[tilespmem:$0x15900] =	vst v63  }
0xa1: {  	s14 =	sadd.s32 $0x200, s13;
	s15 =	simm.s32 $0xB500  }
0xa2: {  	[hbm4b:s14+s2] =	stream.linear.scatter [tilespmem:s15], [sflag:$0x3], $0x400, $0x38;
	[tilespmem:$0x15900] =	vst v63  }
0xa3: {  	p0 =	seq.s32 s9, $0x18B00;
	_ =	swait.ge [sflag:s18], $0x8C00  }
.Ltmp2:
0xa4: {  	[sflag:s18] =	ssyncset.done $0x0;
	(pc) =	sbr.rel @p0 .LBB2_4-.Ltmp2, $4  }
0xa5: {  	[sflag:s18] =	ssyncadd.s32 $0xFFFF7400  }
0xa6: {  	_ =	swait.ge [sflag:s18], $0x1400  }
0xa7: {  	[sflag:s18] =	ssyncset.done $0x0  }
0xa8: {  	[sflag:s18] =	ssyncadd.s32 $0xFFFFEC00  }
0xa9: {  	v3 =	vld [tilespmem:s1+$0xFFFFFFB8];
	_ =	sdelay $0x4  }
0xaa: {  	v4 =	vshll.u32 v3, $0x3  }
0xab: {  	v3 =	vand.u32 $0x7, v3;
	v4 =	vand.u32 $0xFFFFFFC0, v4  }
0xac: {  	v3 =	vor.u32 v3, v4  }
0xad: {  	v4 =	vperm.xlane v3, v0;
	_ =	sdelay $0x1  }
0xae: {  	v4 =	vadd.s32 v1, v4;
	_ =	sdelay $0x4  }
0xaf: {  	[tilespmem:s12], [sflag:$0x1] =	stream.indirect_vreg.gather [hbm4b:s3+s2], $0x80, v4, vm0, $0xb8;
	[tilespmem:$0x15900] =	vst v63  }
0xb0: {  	s14 =	simm.s32 $0x2100;
	v3 =	vperm.xlane v3, v2  }
0xb1: {  	[tilespmem:s14], [sflag:$0x1] =	stream.indirect_vreg.gather [hbm4b:s5+s2], $0x80, v4, vm0, $0xb8;
	[tilespmem:$0x15900] =	vst v63  }
0xb2: {  	s15 =	simm.s32 $0x2900;
	v3 =	vadd.s32 v1, v3  }
0xb3: {  	[tilespmem:s15], [sflag:$0x1] =	stream.indirect_vreg.gather [hbm4b:s6+s2], $0x80, v4, vm0, $0xb8;
	[tilespmem:$0x15900] =	vst v63  }
0xb4: {  	s15 =	simm.s32 $0x3100  }
0xb5: {  	[tilespmem:s15], [sflag:$0x1] =	stream.indirect_vreg.gather [hbm4b:s7+s2], $0x80, v4, vm0, $0xb8;
	[tilespmem:$0x15900] =	vst v63  }
0xb6: {  	_ = 	snop  }
0xb7: {  	[tilespmem:s16], [sflag:$0x1] =	stream.indirect_vreg.gather [hbm4b:s3+s2], $0x80, v3, vm0, $0xb8;
	[tilespmem:$0x15900] =	vst v63  }
0xb8: {  	s15 =	simm.s32 $0x4100  }
0xb9: {  	[tilespmem:s15], [sflag:$0x1] =	stream.indirect_vreg.gather [hbm4b:s5+s2], $0x80, v3, vm0, $0xb8;
	[tilespmem:$0x15900] =	vst v63  }
0xba: {  	s15 =	simm.s32 $0x4900  }
0xbb: {  	[tilespmem:s15], [sflag:$0x1] =	stream.indirect_vreg.gather [hbm4b:s6+s2], $0x80, v3, vm0, $0xb8;
	[tilespmem:$0x15900] =	vst v63  }
0xbc: {  	s15 =	simm.s32 $0x5100  }
0xbd: {  	[tilespmem:s15], [sflag:$0x1] =	stream.indirect_vreg.gather [hbm4b:s7+s2], $0x80, v3, vm0, $0xb8;
	[tilespmem:$0x15900] =	vst v63  }
0xbe: {  	v3 =	vld [tilespmem:s1+$0xFFFFFFC8];
	_ =	sdelay $0x4  }
0xbf: {  	v62 =	vshll.u32 v3, $0x3  }
0xc0: {  	v3 =	vand.u32 $0x7, v3;
	v4 =	vand.u32 $0xFFFFFFC0, v62  }
0xc1: {  	v3 =	vor.u32 v3, v4  }
0xc2: {  	v4 =	vperm.xlane v3, v0;
	_ =	sdelay $0x1  }
0xc3: {  	v4 =	vadd.s32 v1, v4;
	_ =	sdelay $0x4  }
0xc4: {  	[tilespmem:s20], [sflag:$0x1] =	stream.indirect_vreg.gather [hbm4b:s3+s2], $0x80, v4, vm0, $0xb8;
	[tilespmem:$0x15900] =	vst v63  }
0xc5: {  	s15 =	simm.s32 $0x6100;
	v3 =	vperm.xlane v3, v2  }
0xc6: {  	[tilespmem:s15], [sflag:$0x1] =	stream.indirect_vreg.gather [hbm4b:s5+s2], $0x80, v4, vm0, $0xb8;
	[tilespmem:$0x15900] =	vst v63  }
0xc7: {  	v3 =	vadd.s32 v1, v3;
	s15 =	simm.s32 $0x6900  }
0xc8: {  	[tilespmem:s15], [sflag:$0x1] =	stream.indirect_vreg.gather [hbm4b:s6+s2], $0x80, v4, vm0, $0xb8;
	[tilespmem:$0x15900] =	vst v63  }
0xc9: {  	s15 =	simm.s32 $0x7100  }
0xca: {  	[tilespmem:s15], [sflag:$0x1] =	stream.indirect_vreg.gather [hbm4b:s7+s2], $0x80, v4, vm0, $0xb8;
	[tilespmem:$0x15900] =	vst v63  }
0xcb: {  	_ = 	snop  }
0xcc: {  	[tilespmem:s24], [sflag:$0x1] =	stream.indirect_vreg.gather [hbm4b:s3+s2], $0x80, v3, vm0, $0xb8;
	[tilespmem:$0x15900] =	vst v63  }
0xcd: {  	s15 =	simm.s32 $0x8100  }
0xce: {  	[tilespmem:s15], [sflag:$0x1] =	stream.indirect_vreg.gather [hbm4b:s5+s2], $0x80, v3, vm0, $0xb8;
	[tilespmem:$0x15900] =	vst v63  }
0xcf: {  	s15 =	simm.s32 $0x8900  }
0xd0: {  	[tilespmem:s15], [sflag:$0x1] =	stream.indirect_vreg.gather [hbm4b:s6+s2], $0x80, v3, vm0, $0xb8;
	[tilespmem:$0x15900] =	vst v63  }
0xd1: {  	s15 =	simm.s32 $0x9100  }
0xd2: {  	[tilespmem:s15], [sflag:$0x1] =	stream.indirect_vreg.gather [hbm4b:s7+s2], $0x80, v3, vm0, $0xb8;
	[tilespmem:$0x15900] =	vst v63  }
0xd3: {  	v3 =	vld.msk [tilespmem:s1+$0xFFFFFFD8], $0xff;
	_ =	sdelay $0x4  }
0xd4: {  	v63 =	vshll.u32 v3, $0x3  }
0xd5: {  	v3 =	vand.u32 $0x7, v3;
	v4 =	vand.u32 $0xFFFFFFC0, v63  }
0xd6: {  	v3 =	vor.u32 v3, v4  }
0xd7: {  	v3 =	vperm.xlane v3, v0;
	_ =	sdelay $0x1  }
0xd8: {  	v3 =	vadd.s32 v1, v3;
	_ =	sdelay $0x4  }
0xd9: {  	[tilespmem:s29], [sflag:$0x1] =	stream.indirect_vreg.gather [hbm4b:s3+s2], $0x80, v3, vm0, $0xb8;
	[tilespmem:$0x15900] =	vst v63  }
0xda: {  	s15 =	simm.s32 $0xA100  }
0xdb: {  	[tilespmem:s15], [sflag:$0x1] =	stream.indirect_vreg.gather [hbm4b:s5+s2], $0x80, v3, vm0, $0xb8;
	[tilespmem:$0x15900] =	vst v63  }
0xdc: {  	s15 =	simm.s32 $0xA900  }
0xdd: {  	[tilespmem:s15], [sflag:$0x1] =	stream.indirect_vreg.gather [hbm4b:s6+s2], $0x80, v3, vm0, $0xb8;
	[tilespmem:$0x15900] =	vst v63  }
0xde: {  	s15 =	simm.s32 $0xB100  }
0xdf: {  	[tilespmem:s15], [sflag:$0x1] =	stream.indirect_vreg.gather [hbm4b:s7+s2], $0x80, v3, vm0, $0xb8;
	[tilespmem:$0x15900] =	vst v63  }
.LBB2_4:
0xe0: {  	_ =	swait.ge [sflag:s19], $0xA000  }
0xe1: {  	[sflag:s19] =	ssyncset.done $0x0  }
0xe2: {  	s14 =	sadd.s32 $0x1400, s8;
	[sflag:s19] =	ssyncadd.s32 $0xFFFF6000  }
0xe3: {  	[hbm4b:s14+s2] =	stream.linear.scatter [tilespmem:s0], [sflag:$0x4], $0x1C00, $0x38;
	[tilespmem:$0x15900] =	vst v63  }
0xe4: {  	s15 =	sadd.s32 $0x1800, s8  }
0xe5: {  	[hbm4b:s15+s2] =	stream.linear.scatter [tilespmem:s11], [sflag:$0x4], $0x1C00, $0x38;
	[tilespmem:$0x15900] =	vst v63  }
0xe6: {  	s15 =	sadd.s32 $0x1C00, s8  }
0xe7: {  	[hbm4b:s15+s2] =	stream.linear.scatter [tilespmem:s17], [sflag:$0x4], $0x1C00, $0x38;
	[tilespmem:$0x15900] =	vst v63  }
0xe8: {  	s15 =	sadd.s32 $0x2000, s8  }
0xe9: {  	[hbm4b:s15+s2] =	stream.linear.scatter [tilespmem:s22], [sflag:$0x4], $0x1C00, $0x38;
	[tilespmem:$0x15900] =	vst v63  }
0xea: {  	s15 =	sadd.s32 $0x2400, s8  }
0xeb: {  	[hbm4b:s15+s2] =	stream.linear.scatter [tilespmem:s28], [sflag:$0x4], $0x1C00, $0x38;
	[tilespmem:$0x15900] =	vst v63  }
0xec: {  	s15 =	sadd.s32 $0x280, s13  }
0xed: {  	[hbm4b:s15+s2] =	stream.linear.scatter [tilespmem:s21], [sflag:$0x4], $0x400, $0x38;
	[tilespmem:$0x15900] =	vst v63  }
0xee: {  	s15 =	sadd.s32 $0x300, s13  }
0xef: {  	[hbm4b:s15+s2] =	stream.linear.scatter [tilespmem:s23], [sflag:$0x4], $0x400, $0x38;
	[tilespmem:$0x15900] =	vst v63  }
0xf0: {  	s15 =	sadd.s32 $0x380, s13  }
0xf1: {  	[hbm4b:s15+s2] =	stream.linear.scatter [tilespmem:s25], [sflag:$0x4], $0x400, $0x38;
	[tilespmem:$0x15900] =	vst v63  }
0xf2: {  	s15 =	sadd.s32 $0x400, s13  }
0xf3: {  	[hbm4b:s15+s2] =	stream.linear.scatter [tilespmem:s26], [sflag:$0x4], $0x400, $0x38;
	[tilespmem:$0x15900] =	vst v63  }
0xf4: {  	s15 =	sadd.s32 $0x480, s13  }
0xf5: {  	[hbm4b:s15+s2] =	stream.linear.scatter [tilespmem:s30], [sflag:$0x4], $0x400, $0x38;
	[tilespmem:$0x15900] =	vst v63  }
0xf6: {  	_ =	swait.ge [sflag:s31], $0x8C00  }
.Ltmp3:
0xf7: {  	[sflag:s31] =	ssyncset.done $0x0;
	(pc) =	sbr.rel @p0 .LBB2_6-.Ltmp3, $4  }
0xf8: {  	[sflag:s31] =	ssyncadd.s32 $0xFFFF7400  }
0xf9: {  	_ =	swait.ge [sflag:s31], $0x1400  }
0xfa: {  	[sflag:s31] =	ssyncset.done $0x0  }
0xfb: {  	[sflag:s31] =	ssyncadd.s32 $0xFFFFEC00  }
0xfc: {  	v3 =	vld [tilespmem:s1+$0xFFFFFFE0];
	_ =	sdelay $0x4  }
0xfd: {  	v4 =	vshll.u32 v3, $0x3  }
0xfe: {  	v3 =	vand.u32 $0x7, v3;
	v4 =	vand.u32 $0xFFFFFFC0, v4  }
0xff: {  	v3 =	vor.u32 v3, v4  }
0x100: {  	v4 =	vperm.xlane v3, v0;
	_ =	sdelay $0x1  }
0x101: {  	v4 =	vadd.s32 v1, v4;
	_ =	sdelay $0x4  }
0x102: {  	[tilespmem:s0], [sflag:$0x2] =	stream.indirect_vreg.gather [hbm4b:s3+s2], $0x80, v4, vm0, $0xb8;
	[tilespmem:$0x15900] =	vst v63  }
0x103: {  	s13 =	simm.s32 $0xC100;
	v3 =	vperm.xlane v3, v2  }
0x104: {  	[tilespmem:s13], [sflag:$0x2] =	stream.indirect_vreg.gather [hbm4b:s5+s2], $0x80, v4, vm0, $0xb8;
	[tilespmem:$0x15900] =	vst v63  }
0x105: {  	s14 =	simm.s32 $0xC900;
	v3 =	vadd.s32 v1, v3  }
0x106: {  	[tilespmem:s14], [sflag:$0x2] =	stream.indirect_vreg.gather [hbm4b:s6+s2], $0x80, v4, vm0, $0xb8;
	[tilespmem:$0x15900] =	vst v63  }
0x107: {  	s15 =	simm.s32 $0xD100  }
0x108: {  	[tilespmem:s15], [sflag:$0x2] =	stream.indirect_vreg.gather [hbm4b:s7+s2], $0x80, v4, vm0, $0xb8;
	[tilespmem:$0x15900] =	vst v63  }
0x109: {  	_ = 	snop  }
0x10a: {  	[tilespmem:s11], [sflag:$0x2] =	stream.indirect_vreg.gather [hbm4b:s3+s2], $0x80, v3, vm0, $0xb8;
	[tilespmem:$0x15900] =	vst v63  }
0x10b: {  	s14 =	simm.s32 $0xE100  }
0x10c: {  	[tilespmem:s14], [sflag:$0x2] =	stream.indirect_vreg.gather [hbm4b:s5+s2], $0x80, v3, vm0, $0xb8;
	[tilespmem:$0x15900] =	vst v63  }
0x10d: {  	s15 =	simm.s32 $0xE900  }
0x10e: {  	[tilespmem:s15], [sflag:$0x2] =	stream.indirect_vreg.gather [hbm4b:s6+s2], $0x80, v3, vm0, $0xb8;
	[tilespmem:$0x15900] =	vst v63  }
0x10f: {  	s14 =	simm.s32 $0xF100  }
0x110: {  	[tilespmem:s14], [sflag:$0x2] =	stream.indirect_vreg.gather [hbm4b:s7+s2], $0x80, v3, vm0, $0xb8;
	[tilespmem:$0x15900] =	vst v63  }
0x111: {  	v3 =	vld [tilespmem:s1+$0xFFFFFFF0];
	_ =	sdelay $0x4  }
0x112: {  	v62 =	vshll.u32 v3, $0x3  }
0x113: {  	v3 =	vand.u32 $0x7, v3;
	v4 =	vand.u32 $0xFFFFFFC0, v62  }
0x114: {  	v3 =	vor.u32 v3, v4  }
0x115: {  	v4 =	vperm.xlane v3, v0;
	_ =	sdelay $0x1  }
0x116: {  	v4 =	vadd.s32 v1, v4;
	_ =	sdelay $0x4  }
0x117: {  	[tilespmem:s17], [sflag:$0x2] =	stream.indirect_vreg.gather [hbm4b:s3+s2], $0x80, v4, vm0, $0xb8;
	[tilespmem:$0x15900] =	vst v63  }
0x118: {  	s15 =	simm.s32 $0x10100;
	v3 =	vperm.xlane v3, v2  }
0x119: {  	[tilespmem:s15], [sflag:$0x2] =	stream.indirect_vreg.gather [hbm4b:s5+s2], $0x80, v4, vm0, $0xb8;
	[tilespmem:$0x15900] =	vst v63  }
0x11a: {  	s14 =	simm.s32 $0x10900;
	v3 =	vadd.s32 v1, v3  }
0x11b: {  	[tilespmem:s14], [sflag:$0x2] =	stream.indirect_vreg.gather [hbm4b:s6+s2], $0x80, v4, vm0, $0xb8;
	[tilespmem:$0x15900] =	vst v63  }
0x11c: {  	s15 =	simm.s32 $0x11100  }
0x11d: {  	[tilespmem:s15], [sflag:$0x2] =	stream.indirect_vreg.gather [hbm4b:s7+s2], $0x80, v4, vm0, $0xb8;
	[tilespmem:$0x15900] =	vst v63  }
0x11e: {  	_ = 	snop  }
0x11f: {  	[tilespmem:s22], [sflag:$0x2] =	stream.indirect_vreg.gather [hbm4b:s3+s2], $0x80, v3, vm0, $0xb8;
	[tilespmem:$0x15900] =	vst v63  }
0x120: {  	s14 =	simm.s32 $0x12100  }
0x121: {  	[tilespmem:s14], [sflag:$0x2] =	stream.indirect_vreg.gather [hbm4b:s5+s2], $0x80, v3, vm0, $0xb8;
	[tilespmem:$0x15900] =	vst v63  }
0x122: {  	s15 =	simm.s32 $0x12900  }
0x123: {  	[tilespmem:s15], [sflag:$0x2] =	stream.indirect_vreg.gather [hbm4b:s6+s2], $0x80, v3, vm0, $0xb8;
	[tilespmem:$0x15900] =	vst v63  }
0x124: {  	s14 =	simm.s32 $0x13100  }
0x125: {  	[tilespmem:s14], [sflag:$0x2] =	stream.indirect_vreg.gather [hbm4b:s7+s2], $0x80, v3, vm0, $0xb8;
	[tilespmem:$0x15900] =	vst v63  }
0x126: {  	v3 =	vld.msk [tilespmem:s1+$0x0], $0xff;
	_ =	sdelay $0x4  }
0x127: {  	v63 =	vshll.u32 v3, $0x3  }
0x128: {  	v3 =	vand.u32 $0x7, v3;
	v4 =	vand.u32 $0xFFFFFFC0, v63  }
0x129: {  	v3 =	vor.u32 v3, v4  }
0x12a: {  	v3 =	vperm.xlane v3, v0;
	_ =	sdelay $0x1  }
0x12b: {  	v3 =	vadd.s32 v1, v3;
	_ =	sdelay $0x4  }
0x12c: {  	[tilespmem:s28], [sflag:$0x2] =	stream.indirect_vreg.gather [hbm4b:s3+s2], $0x80, v3, vm0, $0xb8;
	[tilespmem:$0x15900] =	vst v63  }
0x12d: {  	s15 =	simm.s32 $0x14100  }
0x12e: {  	[tilespmem:s15], [sflag:$0x2] =	stream.indirect_vreg.gather [hbm4b:s5+s2], $0x80, v3, vm0, $0xb8;
	[tilespmem:$0x15900] =	vst v63  }
.Ltmp4:
0x12f: {  	_ = 	snop;
	(pc) =	sbr.rel .LBB2_2-.Ltmp4, $4  }
0x130: {  	s9 =	sadd.s32 $0x500, s9;
	s14 =	simm.s32 $0x14900  }
0x131: {  	[tilespmem:s14], [sflag:$0x2] =	stream.indirect_vreg.gather [hbm4b:s6+s2], $0x80, v3, vm0, $0xb8;
	[tilespmem:$0x15900] =	vst v63  }
0x132: {  	s8 =	sadd.s32 $0x2800, s8;
	s1 =	sadd.s32 $0x50, s1;
	s15 =	simm.s32 $0x15100  }
0x133: {  	[tilespmem:s15], [sflag:$0x2] =	stream.indirect_vreg.gather [hbm4b:s7+s2], $0x80, v3, vm0, $0xb8;
	[tilespmem:$0x15900] =	vst v63  }
.LBB2_7:
0x134: {  	_ =	sfence.sel $0x180000  }
0x135: {  	[bflag:$0x0] =	sbarrier.arrive $0xFFFF  }
0x136: {  	_ =	strace $0x90000047  }
0x137: {  	s0 =	stileid.u32;
	[bflag:$0x2] =	sbarrier.arrive $0xFFFF  }
0x138: {  	p0 =	sne.s32 s0, $0x0;
	s0 =	rddreg [dreg:$0x2]  }
0x139: {  	s0 =	sadd.s32 @!p0 $0x100000, s0  }
0x13a: {  	[sflag:s0] =	ssyncadd.tile.s32 @!p0 $0x1;
	_ =	shalt  }
.Lfunc_end2:
_tile_overlayer_lowered:
.L_overlay_start_2:
0x13b: {  	(tag) =	ssettag $0x2  }
0x13c: {  	s0 =	rddreg [dreg:$0x0];
	s2 =	stileid.u32  }
0x13d: {  	s1 =	rddreg [dreg:$0x1];
	p0 =	sne.s32 s2, $0x0  }
0x13e: {  	s3 =	rddreg [dreg:$0x2];
	[bflag:$0x3] =	sbarrier.arrive $0xFFFF;
	s2 =	simm.s32 @!p0 $0x1C05  }
0x13f: {  	[timem:s3], [sflag:s2] =	dma.local @!p0 [hbm:s0], s1  }
0x140: {  	s0 =	simm.s32 @!p0 $0x5  }
0x141: {  	_ =	swait.ge @!p0 [sflag:s0], s1  }
0x142: {  	s1 =	ssub.s32 @!p0 $0x0, s1;
	[sflag:s0] =	ssyncset.done @!p0 $0x0  }
0x143: {  	[sflag:s0] =	ssyncadd.s32 @!p0 s1  }
0x144: {  	[bflag:$0x3] =	sbarrier.arrive $0xFFFF  }
0x145: {  	_ =	shalt  }

// kernel: sparse-core-data-format-call.cloned.1.call-start
scs
called_computation_lowered:
.L_overlay_start_0:
0x0: {  	s2 =	sld [smem:$0x3FD9]  }
0x1: {  	s3 =	sld [smem:$0x3FFE];
	_ =	sdelay $0x1  }
0x2: {  	s1 =	srdreg.scid  }
0x3: {  	s0 =	sand.u32 $0x1, s1  }
0x4: {  	s15 =	sshll.u32 s0, $0xA;
	s2 =	sadd.s32 s3, s2  }
0x5: {  	s2 =	sadd.s32 s2, s15  }
0x6: {  	[smem:$0x3FC5] =	sst s2  }
0x7: {  	_ = 	snop  }
0x8: {  	s2 =	sld [smem:$0x3FD0];
	_ =	sdelay $0x2  }
0x9: {  	s16 =	simm.s32 $0xA;
	s4 =	simm.s32 $0x10  }
0xa: {  	[smem:s4], [sflag:s16] =	dma.local [hbm:s2], $0x1  }
0xb: {  	_ =	swait.eq [sflag:s16], $0x1  }
0xc: {  	[sflag:s16] =	ssyncset.done $0x0  }
0xd: {  	[sflag:s16] =	ssyncadd.s32 $0xFFFFFFFF  }
0xe: {  	s17 =	sld [smem:$0x10];
	(tm) =	ssettm $0x1  }
0xf: {  	s18 =	sld [smem:$0x3FFB];
	_ =	sdelay $0x3  }
0x10: {  	_ =	strace s18  }
0x11: {  	s3 =	sld [smem:$0x3FFC];
	_ =	sdelay $0x3  }
0x12: {  	_ =	strace s3  }
0x13: {  	s3 =	sld [smem:$0x3FFD];
	_ =	sdelay $0x3  }
0x14: {  	_ =	strace s3  }
0x15: {  	_ =	strace $0x8FFFFFFF  }
0x16: {  	s19 =	sld [smem:$0x3FDB];
	_ =	sdelay $0x1  }
0x17: {  	s20 =	simm.s32 $_scs_section_size  }
0x18: {  	s5 =	simm.s32 $_size__tile_overlayer_lowered;
	s6 =	simm.s32 $_tile_overlayer_lowered  }
0x19: {  	s23 =	simm.s32 $0x1BFF;
	s22 =	sshll.u32 s6, $0x1;
	s3 =	sadd.s32 s20, s19  }
0x1a: {  	s7 =	simm.s32 $0x0;
	s21 =	sshll.u32 s5, $0x1;
	s5 =	sadd.s32 s22, s3  }
0x1b: {  	[timem:s7], [sflag:s23] =	dma.local [hbm:s5], s21  }
0x1c: {  	_ =	swait.ge [sflag:s23], s21  }
0x1d: {  	s4 =	ssub.s32 $0x0, s21;
	[sflag:s23] =	ssyncset.done $0x0  }
0x1e: {  	[sflag:s23] =	ssyncadd.s32 s4;
	_ =	sdelay $0x1  }
0x1f: {  	s24 =	simm.s32 $0x1B8B  }
0x20: {  	_ =	swait.ge [sflag:s24], $0x1  }
0x21: {  	[sflag:s24] =	ssyncset.done $0x0  }
0x22: {  	s26 =	simm.s32 $0x1B8E;
	s25 =	sld [smem:$0x3FFE];
	[sflag:s24] =	ssyncadd.s32 $0xFFFFFFFF  }
0x23: {  	s27 =	simm.s32 $execute0_lowered;
	[smem:$0x3FD2] =	sst s26  }
0x24: {  	s5 =	sshll.u32 s27, $0x1;
	_ =	strace $0x80000049;
	[dreg:$0x1] =	wrdreg $0xFFFFFFFF  }
0x25: {  	s28 =	simm.s32 $_size_execute0_lowered;
	s3 =	sadd.s32 s3, s5;
	[dreg:$0x0] =	wrdreg $0x0  }
0x26: {  	s5 =	sshll.u32 s28, $0x1;
	[dreg:$0x2] =	wrdreg s3  }
0x27: {  	[dreg:$0x3] =	wrdreg s5  }
0x28: {  	[dreg:$0x4] =	wrdreg $0xC0  }
0x29: {  	_ =	task [dreg:s7], $0x5FFFF  }
0x2a: {  	[dreg:$0x1] =	wrdreg $0xFFFFFFFF  }
0x2b: {  	[dreg:$0x0] =	wrdreg $0x60  }
0x2c: {  	[dreg:$0x2] =	wrdreg s25  }
0x2d: {  	[dreg:$0x3] =	wrdreg s17  }
0x2e: {  	[dreg:$0x4] =	wrdreg $0x9  }
0x2f: {  	_ =	task.clear_ibuf [dreg:s7], $0x5FFFF;
	_ =	strace $0x90000049  }
0x30: {  	s29 =	simm.s32 $0x9;
	_ =	strace $0x8000004B  }
0x31: {  	_ =	swait.ge [sflag:s29], $0x1  }
0x32: {  	[sflag:s29] =	ssyncadd.s32 $0xFFFFFFFF  }
0x33: {  	_ =	strace $0x9000004B  }
0x34: {  	_ =	sfence  }
0x35: {  	s30 =	sld [smem:$0x0];
	_ =	sdelay $0x2  }
0x36: {  	s31 =	sshll.u32 s1, $0xD;
	s1 =	sshrl.u32 s1, $0x2  }
0x37: {  	s3 =	sand.u32 $0x4000, s31;
	s1 =	sadd.s32 s1, s30  }
0x38: {  	s0 =	sor.u32 s3, s0;
	s1 =	sshll.u32 s1, $0x11  }
0x39: {  	s0 =	sor.u32 s1, s0  }
0x3a: {  	s0 =	sadd.s32 $0x8F2B, s0  }
0x3b: {  	[sflag:s0] =	ssyncadd.remote.s32 $0x1  }
0x3c: {  	_ =	sfence.sel $0xFFFF  }
0x3d: {  	[dreg:$0x0] =	wrdreg $0xFFFFFFFF;
	(pc) =	sbr.abs _section_cstart, $3  }
0x3e: {  	[dreg:$0x1] =	wrdreg $0xFFFFFFFF  }
0x3f: {  	_ =	task.clear_ibuf [dreg:s7], $0x2FFFF;
	_ =	strace $0x9FFFFFFF  }
0x40: {  	(tm) =	ssettm $0x7FFFFFFF  }
0x41: {  	_ =	shalt  }
tec
execute0_lowered:
.L_overlay_start_1:
0x0: {  	(tag) =	ssettag $0x1  }
0x1: {  	s0 =	srdreg.scid;
	s5 =	rddreg [dreg:$0x0]  }
0x2: {  	s3 =	rddreg [dreg:$0x1];
	s1 =	sshll.u32 s0, $0x4  }
0x3: {  	s7 =	simm.s32 $0x1;
	s0 =	stileid.u32;
	s1 =	sand.u32 $0x10, s1  }
0x4: {  	s8 =	simm.s32 $0x2;
	s15 =	simm.s32 $0x0;
	s1 =	sor.u32 s0, s1  }
0x5: {  	s14 =	simm.s32 $0x0;
	s9 =	simm.s32 $0x0;
	s2 =	sshll.u32 s1, $0x7  }
0x6: {  	s10 =	simm.s32 $0x0;
	s11 =	simm.s32 $0x0;
	s6 =	ssub.s32 $0x32000, s2  }
0x7: {  	s13 =	simm.s32 $0x0;
	s5 =	sadd.s32 $0x2EC00, s5;
	s4 =	sand.u32 $0xF80, s6  }
.Ltmp0:
0x8: {  	s1 =	rddreg [dreg:$0x2];
	p0 =	sne.s32 s4, $0x0;
	(pc) =	sbr.rel .LBB1_1-.Ltmp0, $4  }
0x9: {  	_ =	strace $0x8000004A;
	s6 =	sshrl.u32 s6, $0xC;
	s7 =	simm.s32 @!p0 $0x0  }
0xa: {  	s12 =	smov.u32 s2;
	s4 =	simm.s32 $0x1;
	s6 =	sadd.s32 s7, s6  }
0xb: {  	[sflag:s4] =	ssyncpa.u1 $0x0;
	p0 =	por $0x0, $0x0;
	s6 =	sshll.u32 s6, $0x3  }
0xc: {  	[sflag:s8] =	ssyncpa.u1 $0x0;
	s8 =	simm.s32 $0x190000;
	s7 =	sor.u32 $0x1, s6  }
.LBB1_4:
0xd: {  	s21 =	sshrl.u32 s9, $0x3;
	s22 =	sshll.u32 s10, $0x3  }
0xe: {  	s20 =	sshra.s32 s20, $0x2;
	s23 =	sshll.u32 s9, $0x7;
	s24 =	sand.u32 $0x7F, s10  }
0xf: {  	p1 =	sgt.s32 s9, $0x368;
	s28 =	sshra.s32 s9, $0x1F;
	s21 =	smul.u32 $0x190000, s21  }
0x10: {  	s29 =	sshra.s32 s10, $0x1F;
	s22 =	sand.u32 $0xFFFFFC00, s22;
	s25 =	sand.u32 $0x380, s23  }
0x11: {  	s19 =	sadd.s32 s20, s19;
	s26 =	sor.u32 s24, s25;
	s21 =	sadd.s32 s22, s21  }
0x12: {  	s27 =	smulhi.u32 $0x51EB851F, s21;
	s20 =	sor.u32 s21, s26;
	s21 =	smov.u32 s9  }
0x13: {  	v5 =	vld [tilespmem:s17+$0xFFFFFFD0];
	[tilespmem:s18+$0x2040 ss:$0x81] =	vst.msk $0xffff, v4;
	s23 =	sand.u32 s28, s9;
	s24 =	sand.u32 s29, s10;
	s21 =	simm.s32 @!p1 $0x368  }
0x14: {  	v58 =	vld [tilespmem:s17+$0xFFFFFFE0];
	[tilespmem:s18+$0x2850 ss:$0x81] =	vst.msk $0xffff, v3;
	p1 =	sgt.s32 s10, $0x31F80;
	s30 =	smulhi.u32 $0x51EB851F, s20;
	s22 =	sshrl.u32 s27, $0x10  }
0x15: {  	v59 =	vld [tilespmem:s17+$0xFFFFFFF0];
	[tilespmem:s18+$0x3060 ss:$0x81] =	vst.msk $0xffff, v2;
	s21 =	ssub.s32 s21, s23;
	s23 =	smov.u32 s10;
	s25 =	smul.u32 $0x8313, s22  }
0x16: {  	v60 =	vld [tilespmem:s17+$0x0];
	[tilespmem:s18+$0x0 ss:$0x81] =	vst.msk $0xffff, v0;
	s23 =	simm.s32 @!p1 $0x31F80;
	s31 =	sadd.s32 $0xFFFFFC98, s21;
	s18 =	sshrl.u32 s30, $0x10  }
0x17: {  	v61 =	vld [tilespmem:s17+$0x10];
	[tilespmem:s19+$0x3870 ss:$0x81] =	vst.msk $0xffff, v1;
	s23 =	ssub.s32 s23, s24;
	s28 =	smul.u32 $0x32000, s18;
	s25 =	sshrl.u32 s25, $0x19  }
0x18: {  	v62 =	vld [tilespmem:s17+$0x20];
	[tilespmem:s19+$0x810 ss:$0x81] =	vst.msk $0xffff, v5;
	p1 =	sgt.s32 s31, $0x7F;
	s26 =	sadd.s32 $0xFFFCE080, s23;
	s27 =	smul.u32 $0x3E8, s25  }
0x19: {  	v63 =	vld [tilespmem:s17+$0xFFFFFFC0];
	[tilespmem:s19+$0x1020 ss:$0x81] =	vst.msk $0xffff, v58;
	s18 =	ssub.s32 $0x3E8, s21;
	s21 =	ssub.s32 $0x32000, s23;
	p2 =	sgt.s32 s26, $0x7F  }
0x1a: {  	[tilespmem:s19+$0x1830 ss:$0x81] =	vst.msk $0xffff, v59;
	s18 =	simm.s32 @p1 $0x0;
	s21 =	simm.s32 @p2 $0x0;
	s22 =	ssub.s32 s22, s27  }
0x1b: {  	[tilespmem:s19+$0x2040 ss:$0x81] =	vst.msk $0xffff, v60;
	s17 =	ssub.s32 s20, s28;
	s18 =	smul.u32 s21, s18;
	s29 =	sand.u32 $0xFFFF, s22  }
0x1c: {  	[tilespmem:s19+$0x2850 ss:$0x81] =	vst.msk $0xffff, v61;
	s30 =	sshrl.u32 s17, $0x3;
	s17 =	sand.u32 $0x7, s17;
	s20 =	smul.u32 $0x6400, s29  }
0x1d: {  	[tilespmem:s19+$0x3060 ss:$0x81] =	vst.msk $0xffff, v62;
	s21 =	sadd.s32 s3, s30;
	s17 =	sshll.u32 s17, $0x12  }
0x1e: {  	[tilespmem:s19+$0x0 ss:$0x81] =	vst.msk $0xffff, v63;
	s17 =	sor.u32 $0x400, s17;
	s18 =	sand.u32 $0x3FFFFFFF, s18;
	s31 =	sadd.s32 s20, s21  }
0x1f: {  	[hbm4b:s31+s17] =	stream.strided.scatter [tilespmem:s16], [sflag:$0x2], s18, s8, s17, $0x20;
	[tilespmem:$0x10100] =	vst v63  }
.LBB1_5:
0x20: {  	p1 =	slt.u32 s13, $0x2  }
0x21: {  	s17 =	smov.u32 s15;
	p2 =	sgt.s32 @!p1 s15, $0x368;
	s16 =	sshra.s32 @!p1 s15, $0x1F  }
0x22: {  	p3 =	sgt.s32 @!p1 s14, $0x31F80;
	s18 =	sshra.s32 @!p1 s14, $0x1F;
	p2 =	por !p2, p1  }
0x23: {  	s15 =	sand.u32 @!p1 s16, s15;
	p3 =	por !p3, p1;
	s16 =	smov.u32 s14  }
0x24: {  	s14 =	sand.u32 @!p1 s18, s14;
	s17 =	simm.s32 @p2 $0x368;
	s16 =	simm.s32 @p3 $0x31F80  }
0x25: {  	s15 =	ssub.s32 @!p1 s17, s15;
	s14 =	ssub.s32 @!p1 s16, s14  }
0x26: {  	s18 =	smov.u32 s12;
	s16 =	sadd.s32 @!p1 $0xFFFFFC98, s15;
	s17 =	sadd.s32 @!p1 $0xFFFCE080, s14  }
0x27: {  	s15 =	ssub.s32 @!p1 $0x3E8, s15;
	p2 =	sgt.s32 @!p1 s16, $0x7F;
	p3 =	sgt.s32 @!p1 s17, $0x7F  }
0x28: {  	s14 =	ssub.s32 @!p1 $0x32000, s14;
	p2 =	por !p2, p1;
	p3 =	por !p3, p1  }
0x29: {  	s16 =	sadd.s32 $0x80, s11;
	s15 =	simm.s32 @!p2 $0x0;
	s14 =	simm.s32 @!p3 $0x0  }
0x2a: {  	p2 =	sgt.s32 s16, $0x3E7;
	s14 =	smul.u32 @!p1 s14, s15;
	s15 =	sadd.s32 $0x1000, s12  }
0x2b: {  	s18 =	smov.u32 @p2 s15  }
0x2c: {  	s16 =	simm.s32 @p2 $0x0;
	p2 =	sgt.s32 s18, $0x31FFF  }
0x2d: {  	s18 =	smov.u32 @p2 s2;
	p2 =	sne.s32 s13, s7  }
.Ltmp1:
0x2e: {  	p0 =	por !p0, !p0;
	s17 =	simm.s32 @!p1 $0x2;
	(pc) =	sbr.rel @!p2 .LBB1_6-.Ltmp1, $4  }
0x2f: {  	s15 =	smov.u32 s9;
	s9 =	smov.u32 s11;
	s14 =	sand.u32 @!p1 $0x3FFFFFFF, s14  }
0x30: {  	s11 =	smov.u32 s16;
	_ =	swait.ge @!p1 [sflag:s17], s14;
	s19 =	ssub.s32 @!p1 $0x0, s14  }
0x31: {  	s14 =	smov.u32 s10;
	s13 =	sadd.s32 $0x1, s13;
	[sflag:s17] =	ssyncset.done @!p1 $0x0  }
0x32: {  	s10 =	smov.u32 s12;
	s12 =	smov.u32 s18;
	[sflag:s17] =	ssyncadd.s32 @!p1 s19  }
.LBB1_1:
0x33: {  	p1 =	sge.u32 s13, s6  }
0x34: {  	s16 =	sshll.u32 @!p1 s12, $0xA  }
0x35: {  	s17 =	sshll.u32 @!p1 s11, $0x3;
	s16 =	sand.u32 @!p1 $0xFFFFE000, s16  }
0x36: {  	s16 =	sadd.s32 @!p1 s16, s17  }
0x37: {  	s16 =	sshrl.u32 @!p1 s16, $0xA  }
0x38: {  	s17 =	smulhi.u32 @!p1 $0x28F5C3, s16  }
0x39: {  	s18 =	sxor.u32 @!p1 $0xFFFFFFFF, s13  }
0x3a: {  	s19 =	sshll.u32 @!p1 s12, $0x7;
	s20 =	sand.u32 @!p1 $0x78, s11;
	s17 =	sshrl.u32 @!p1 s17, $0x7  }
0x3b: {  	s18 =	sshll.u32 @!p1 s18, $0xE;
	s19 =	sand.u32 @!p1 $0x380, s19;
	s17 =	smul.u32 @!p1 $0x32000, s17  }
0x3c: {  	s31 =	sadd.s32 $0xFFFFFFFF, s13;
	s19 =	sor.u32 @!p1 s20, s19;
	s18 =	sand.u32 @!p1 $0x4000, s18  }
0x3d: {  	s16 =	ssub.s32 @!p1 s16, s17;
	s17 =	sshrl.u32 @!p1 s19, $0x3;
	s19 =	sand.u32 @!p1 $0x7, s11  }
0x3e: {  	s16 =	sshll.u32 @!p1 s16, $0x7;
	s17 =	sadd.s32 @!p1 s5, s17;
	s19 =	sshll.u32 @!p1 s19, $0x12  }
0x3f: {  	s16 =	sadd.s32 @!p1 s16, s17;
	s17 =	sor.u32 @!p1 $0x400, s19;
	s19 =	simm.s32 @!p1 $0x2000  }
0x40: {  	[tilespmem:s18], [sflag:$0x1] =	stream.strided.gather @!p1 [hbm4b:s16+s17], $0x4000, s19, s17, $0x38;
	[tilespmem:$0x10100] =	vst v63  }
0x41: {  	p1 =	sge.u32 s31, s6  }
.Ltmp2:
0x42: {  	_ = 	snop;
	(pc) =	sbr.rel @p1 .LBB1_5-.Ltmp2, $1  }
0x43: {  	_ =	sdelay $0x3  }
0x44: {  	s16 =	simm.s32 $0x1  }
0x45: {  	_ =	swait.ge [sflag:s4], $0x4000;
	s16 =	simm.s32 @!p0 $0x0  }
0x46: {  	[sflag:s4] =	ssyncset.done $0x0;
	s17 =	sshll.u32 s16, $0xE  }
0x47: {  	[sflag:s4] =	ssyncadd.s32 $0xFFFFC000;
	s17 =	sor.u32 $0x40, s17  }
0x48: {  	s16 =	smul.u32 $0x10200, s16;
	v0 =	vld [tilespmem:s17+$0x30]  }
0x49: {  	v1 =	vld [tilespmem:s17+$0xFFFFFFD0]  }
0x4a: {  	s16 =	sshrl.u32 s16, $0x2;
	v5 =	vld [tilespmem:s17+$0xFFFFFFE0]  }
0x4b: {  	v6 =	vld [tilespmem:s17+$0xFFFFFFF0];
	s19 =	sor.u32 $0x8000, s16  }
0x4c: {  	s31 =	sand.u32 $0x1, s13;
	v4 =	vld [tilespmem:s17+$0x0];
	s18 =	sadd.s32 $0x0, s19  }
0x4d: {  	v3 =	vld [tilespmem:s17+$0x10];
	s16 =	smul.u32 $0x10200, s31;
	[tilespmem:s18+$0x3870 ss:$0x81] =	vst.msk $0xffff, v0  }
0x4e: {  	v2 =	vld [tilespmem:s17+$0x20];
	[tilespmem:s18+$0x810 ss:$0x81] =	vst.msk $0xffff, v1  }
0x4f: {  	s16 =	sshrl.u32 s16, $0x2;
	v0 =	vld [tilespmem:s17+$0xFFFFFFC0];
	[tilespmem:s18+$0x1020 ss:$0x81] =	vst.msk $0xffff, v5;
	s17 =	sadd.s32 $0x80, s17  }
0x50: {  	s20 =	simm.s32 $0x4;
	s21 =	simm.s32 $0x8;
	s16 =	sor.u32 $0x8000, s16;
	[tilespmem:s18+$0x1830 ss:$0x81] =	vst.msk $0xffff, v6;
	v1 =	vld [tilespmem:s17+$0x30]  }
.LBB1_3:
0x51: {  	p1 =	sne.s32 s21, $0x1FC;
	v5 =	vld [tilespmem:s17+$0xFFFFFFD0];
	[tilespmem:s18+$0x2040 ss:$0x81] =	vst.msk $0xffff, v4  }
0x52: {  	v6 =	vld [tilespmem:s17+$0xFFFFFFE0];
	[tilespmem:s18+$0x2850 ss:$0x81] =	vst.msk $0xffff, v3  }
0x53: {  	s22 =	sshra.s32 s20, $0x2;
	s20 =	smov.u32 s21;
	v7 =	vld [tilespmem:s17+$0xFFFFFFF0];
	[tilespmem:s18+$0x3060 ss:$0x81] =	vst.msk $0xffff, v2  }
.Ltmp3:
0x54: {  	v4 =	vld [tilespmem:s17+$0x0];
	[tilespmem:s18+$0x0 ss:$0x81] =	vst.msk $0xffff, v0;
	s18 =	sadd.s32 s22, s19;
	(pc) =	sbr.rel @p1 .LBB1_3-.Ltmp3, $4  }
0x55: {  	v3 =	vld [tilespmem:s17+$0x10];
	[tilespmem:s18+$0x3870 ss:$0x81] =	vst.msk $0xffff, v1  }
0x56: {  	[tilespmem:s18+$0x810 ss:$0x81] =	vst.msk $0xffff, v5;
	v2 =	vld [tilespmem:s17+$0x20]  }
0x57: {  	v0 =	vld [tilespmem:s17+$0xFFFFFFC0];
	[tilespmem:s18+$0x1020 ss:$0x81] =	vst.msk $0xffff, v6;
	s17 =	sadd.s32 $0x80, s17  }
0x58: {  	s21 =	sadd.s32 $0x4, s21;
	v1 =	vld [tilespmem:s17+$0x30];
	[tilespmem:s18+$0x1830 ss:$0x81] =	vst.msk $0xffff, v7  }
.Ltmp4:
0x59: {  	_ = 	snop;
	(pc) =	sbr.rel .LBB1_4-.Ltmp4, $1  }
0x5a: {  	_ =	sdelay $0x3  }
.LBB1_6:
0x5b: {  	_ =	sfence.sel $0x180000  }
0x5c: {  	s2 =	simm.s32 $0x1;
	[bflag:$0x0] =	sbarrier.arrive $0xFFFF  }
0x5d: {  	s31 =	simm.s32 $0x2;
	[sflag:s2] =	ssyncpa.u1 $0x1  }
0x5e: {  	[sflag:s31] =	ssyncpa.u1 $0x1  }
0x5f: {  	p0 =	sne.s32 s0, $0x0;
	_ =	strace $0x9000004A  }
0x60: {  	s0 =	sadd.s32 @!p0 $0x100000, s1;
	[bflag:$0x2] =	sbarrier.arrive $0xFFFF  }
0x61: {  	[sflag:s0] =	ssyncadd.tile.s32 @!p0 $0x1;
	_ =	shalt  }
.Lfunc_end1:
_tile_overlayer_lowered:
.L_overlay_start_2:
0x62: {  	(tag) =	ssettag $0x2  }
0x63: {  	s0 =	rddreg [dreg:$0x0];
	s2 =	stileid.u32  }
0x64: {  	s1 =	rddreg [dreg:$0x1];
	p0 =	sne.s32 s2, $0x0  }
0x65: {  	s3 =	rddreg [dreg:$0x2];
	[bflag:$0x3] =	sbarrier.arrive $0xFFFF;
	s2 =	simm.s32 @!p0 $0x1C01  }
0x66: {  	[timem:s3], [sflag:s2] =	dma.local @!p0 [hbm:s0], s1  }
0x67: {  	s0 =	simm.s32 @!p0 $0x1  }
0x68: {  	_ =	swait.ge @!p0 [sflag:s0], s1  }
0x69: {  	s1 =	ssub.s32 @!p0 $0x0, s1;
	[sflag:s0] =	ssyncset.done @!p0 $0x0  }
0x6a: {  	[sflag:s0] =	ssyncadd.s32 @!p0 s1  }
0x6b: {  	[bflag:$0x3] =	sbarrier.arrive $0xFFFF  }
0x6c: {  	_ =	shalt  }

</sc_bundles>
